<compile_context>
chip_gen: v7x
topology: tpu7x:2x2x1
jax: 0.10.2.dev20260603
libtpu: 0.0.44.dev20260713+nightly
codegen_flags: <defaults>
</compile_context>

<pallas_src>
import functools

import jax
import jax.numpy as jnp
from jax import lax
from jax.experimental import pallas as pl
from jax.experimental.pallas import tpu as pltpu
from jax.experimental.pallas import tpu_sc as plsc

N = 10000
E = 320000
F = 128
NGRAPH = 64

NTILES = 32
EDGES_PER_TILE = E // NTILES
CHUNK = 80
NCHUNKS = EDGES_PER_TILE // CHUNK
N_PAD = 10240
ROWS_PER_TILE = N_PAD // 16


def _agg_body(h_hbm, src_hbm, dst_hbm, zero_hbm, out_hbm,
              srcv, dstv, rowsv, agg_sh, sem):
    c = lax.axis_index("c")
    s = lax.axis_index("s")
    wid = c * 16 + s
    pltpu.sync_copy(src_hbm.at[wid], srcv)
    pltpu.sync_copy(dst_hbm.at[wid], dstv)
    r0 = s * ROWS_PER_TILE
    pltpu.sync_copy(zero_hbm, agg_sh.at[pl.ds(r0, ROWS_PER_TILE)])
    plsc.subcore_barrier()

    def chunk(j, carry):
        pltpu.async_copy(h_hbm.at[srcv.at[j]], rowsv, sem).wait()
        pltpu.sync_copy(rowsv, agg_sh.at[dstv.at[j]], add=True)
        return carry

    lax.fori_loop(0, NCHUNKS, chunk, 0)
    plsc.subcore_barrier()
    pltpu.sync_copy(agg_sh.at[pl.ds(r0, ROWS_PER_TILE)], out_hbm.at[c].at[pl.ds(r0, ROWS_PER_TILE)])


_agg_call = pl.kernel(
    _agg_body,
    out_type=jax.ShapeDtypeStruct((2, N_PAD, F), jnp.float32),
    mesh=plsc.VectorSubcoreMesh(core_axis_name="c", subcore_axis_name="s"),
    scratch_types=[
        pltpu.VMEM((NCHUNKS, CHUNK), jnp.int32),
        pltpu.VMEM((NCHUNKS, CHUNK), jnp.int32),
        pltpu.VMEM((CHUNK, F), jnp.float32),
        pltpu.VMEM_SHARED((N_PAD, F), jnp.float32),
        pltpu.SemaphoreType.DMA,
    ],
)


def _mlp_body(a0, a1, h, w1, b1, w2, sc, sh, o):
    h2 = a0[...] + a1[...] + h[...]
    z = jnp.dot(h2, w1[...], preferred_element_type=jnp.float32) + b1[...]
    z = jnp.maximum(z, 0.0)
    z = jnp.dot(z, w2[...], preferred_element_type=jnp.float32)
    o[...] = jnp.maximum(z * sc[...] + sh[...], 0.0)


_MLP_ROWS = 1000


def _mlp_call(a0, a1, h, w1, b1, w2, sc, sh):
    row_spec = pl.BlockSpec((_MLP_ROWS, F), lambda i: (i, 0))
    full = pl.BlockSpec((F, F), lambda i: (0, 0))
    vec = pl.BlockSpec((1, F), lambda i: (0, 0))
    return pl.pallas_call(
        _mlp_body,
        grid=(N // _MLP_ROWS,),
        in_specs=[row_spec, row_spec, row_spec, full, vec, full, vec, vec],
        out_specs=row_spec,
        out_shape=jax.ShapeDtypeStruct((N, F), jnp.float32),
    )(a0, a1, h, w1, b1, w2, sc, sh)


def _pool_body(h, batch, fcw, fcb, o):
    ids = batch[...]
    seg = lax.broadcasted_iota(jnp.int32, (NGRAPH, N), 0)
    onehot = (ids == seg).astype(jnp.float32)
    pooled = jnp.dot(onehot, h[...], preferred_element_type=jnp.float32)
    counts = jnp.sum(onehot, axis=1, keepdims=True)
    pooled = pooled / jnp.maximum(counts, 1.0)
    logits = jnp.dot(pooled, fcw[...], preferred_element_type=jnp.float32) + fcb[...]
    mx = jnp.max(logits, axis=1, keepdims=True)
    lse = jnp.log(jnp.sum(jnp.exp(logits - mx), axis=1, keepdims=True))
    o[...] = logits - mx - lse


def _pool_call(h, batch2d, fcw, fcb):
    nclass = fcw.shape[1]
    return pl.pallas_call(
        _pool_body,
        out_shape=jax.ShapeDtypeStruct((NGRAPH, nclass), jnp.float32),
    )(h, batch2d, fcw, fcb)


@jax.jit
def _forward(x, edge_index, batch, params, fc_W, fc_b):
    src3 = edge_index[0].reshape(NTILES, NCHUNKS, CHUNK)
    dst3 = edge_index[1].reshape(NTILES, NCHUNKS, CHUNK)
    zeros = jnp.zeros((ROWS_PER_TILE, F), jnp.float32)
    batch2d = batch.reshape(1, N)
    h = x
    for (W1, b1, W2, b2, g, be, m, v) in params:
        scale = g / jnp.sqrt(v + 1e-5)
        shift = (b2 - m) * scale + be
        parts = _agg_call(h, src3, dst3, zeros)
        h = _mlp_call(parts[0, :N], parts[1, :N], h,
                      W1, b1.reshape(1, F), W2,
                      scale.reshape(1, F), shift.reshape(1, F))
    return _pool_call(h, batch2d, fc_W, fc_b.reshape(1, -1))


def kernel(x, edge_index, batch, params, fc_W, fc_b):
    return _forward(x, edge_index, batch, params, fc_W, fc_b)

# --- scband reference (transcript-rebuilt; emitter-appended) ---
"""Pipeline reference for scband-gin-11879879544634 (READ-ONLY COPY).

The authoritative reference and input builder live on the scoring server;
editing this copy changes nothing except your own understanding.
"""

import jax, jax.numpy as jnp
import numpy as np

N = 10000
E = 320000
NFEAT = 128
NHID = 128
NCLASS = 10
NCONVS = 3
NGRAPH = 64


def setup_inputs(seed: int = 0):
    key = jax.random.key(seed)
    ks = jax.random.split(key, 4 + 2 * NCONVS)
    x = jax.random.normal(ks[0], (N, NFEAT), dtype=jnp.float32)
    edge_index = jax.random.randint(ks[1], (2, E), 0, N, dtype=jnp.int32)
    batch = jnp.sort(jax.random.randint(ks[2], (N,), 0, NGRAPH, dtype=jnp.int32))
    params = []
    for i in range(NCONVS):
        fin = NFEAT if i == 0 else NHID
        kW1 = ks[3 + 2 * i]
        kW2 = ks[4 + 2 * i]
        W1 = jax.random.normal(kW1, (fin, NHID), dtype=jnp.float32) * (1.0 / np.sqrt(fin))
        b1 = jnp.zeros((NHID,), jnp.float32)
        W2 = jax.random.normal(kW2, (NHID, NHID), dtype=jnp.float32) * (1.0 / np.sqrt(NHID))
        b2 = jnp.zeros((NHID,), jnp.float32)
        g = jnp.ones((NHID,), jnp.float32)
        be = jnp.zeros((NHID,), jnp.float32)
        m = jnp.zeros((NHID,), jnp.float32)
        v = jnp.ones((NHID,), jnp.float32)
        params.append((W1, b1, W2, b2, g, be, m, v))
    fc_W = jax.random.normal(ks[3 + 2 * NCONVS], (NHID, NCLASS), dtype=jnp.float32) * (1.0 / np.sqrt(NHID))
    fc_b = jnp.zeros((NCLASS,), jnp.float32)
    return {"x": x, "edge_index": edge_index, "batch": batch, "params": tuple(params), "fc_W": fc_W, "fc_b": fc_b}


def reference(x, edge_index, batch, params, fc_W, fc_b):
    # GIN forward (eval mode: dropout is identity, BatchNorm uses running stats)
    h = x
    for (W1, b1, W2, b2, g, be, m, v) in params:
        # GINConv: MLP((1 + eps) * x + sum_{j in N(i)} x_j), eps = 0
        msgs = h[edge_index[0]]
        agg = jax.ops.segment_sum(msgs, edge_index[1], num_segments=N)
        h2 = agg + h
        h2 = jnp.maximum(h2 @ W1 + b1, 0.0)
        h2 = h2 @ W2 + b2
        h2 = (h2 - m) / jnp.sqrt(v + 1e-5) * g + be
        h = jnp.maximum(h2, 0.0)
    # global mean pool over graphs in batch
    sums = jax.ops.segment_sum(h, batch, num_segments=NGRAPH)
    counts = jax.ops.segment_sum(jnp.ones((N,), jnp.float32), batch, num_segments=NGRAPH)
    pooled = sums / jnp.clip(counts, 1.0)[:, None]
    logits = pooled @ fc_W + fc_b
    return jax.nn.log_softmax(logits, axis=1)

if __name__ == "__main__":
    import jax
    _d = setup_inputs()
    print(jax.jit(kernel)(*tuple(_d.values())))

</pallas_src>

<mosaic_0001>
#map = affine_map<(d0, d1) -> (0, 0)>
#map1 = affine_map<(d0, d1) -> (0, 0, 0)>
module attributes {stable_mosaic.version = 14 : i64} {
  func.func @_agg_body(%arg0: i32, %arg1: i32, %arg2: memref<10000x128xf32, #tpu.memory_space<hbm>>, %arg3: memref<32x125x80xi32, #tpu.memory_space<hbm>>, %arg4: memref<32x125x80xi32, #tpu.memory_space<hbm>>, %arg5: memref<640x128xf32, #tpu.memory_space<hbm>>, %arg6: memref<2x10240x128xf32, #tpu.memory_space<hbm>>, %arg7: memref<125x80xi32, #tpu.memory_space<vmem>>, %arg8: memref<125x80xi32, #tpu.memory_space<vmem>>, %arg9: memref<80x128xf32, #tpu.memory_space<vmem>>, %arg10: memref<10240x128xf32, #tpu.memory_space<vmem_shared>>, %arg11: memref<!tpu.dma_semaphore, #tpu.memory_space<semaphore_mem>>) attributes {dimension_semantics = [#tpu.dimension_semantics<core_parallel>, #tpu.dimension_semantics<subcore_parallel>], iteration_bounds = array<i64: 2, 16>, scalar_prefetch = 0 : i64, scratch_operands = 5 : i64, tpu.core_type = #tpu.core_type<sc_vector_subcore>, window_params = [{transform_indices = #map}, {transform_indices = #map1}, {transform_indices = #map1}, {transform_indices = #map}, {transform_indices = #map1}]} {
    %mul3A = arith.constant 16 : i32
    %mul3A_0 = arith.muli %arg0, %mul3A : i32
    %add3A = arith.addi %mul3A_0, %arg1 : i32
    "tpu.region"() ({
      %run_scoped3A = tpu.sem_alloc : memref<!tpu.dma_semaphore, #tpu.memory_space<semaphore_mem>>
      %dma_start3A = arith.constant 0 : i32
      %dma_start3A_9 = arith.constant 0 : i32
      %dma_start3A_10 = tpu.memref_slice %arg3[%add3A, %dma_start3A, %dma_start3A_9] : memref<32x125x80xi32, #tpu.memory_space<hbm>> -> memref<1x125x80xi32, #tpu.memory_space<hbm>>
      %dma_start3A_11 = tpu.memref_squeeze %dma_start3A_10 : memref<1x125x80xi32, #tpu.memory_space<hbm>> -> memref<125x80xi32, #tpu.memory_space<hbm>>
      %dma_start3A_12 = arith.constant 0 : i32
      %dma_start3A_13 = arith.constant 0 : i32
      %dma_start3A_14 = tpu.memref_slice %arg3[%add3A, %dma_start3A_12, %dma_start3A_13] : memref<32x125x80xi32, #tpu.memory_space<hbm>> -> memref<1x125x80xi32, #tpu.memory_space<hbm>>
      %dma_start3A_15 = tpu.memref_squeeze %dma_start3A_14 : memref<1x125x80xi32, #tpu.memory_space<hbm>> -> memref<125x80xi32, #tpu.memory_space<hbm>>
      tpu.enqueue_dma source(%dma_start3A_15 : memref<125x80xi32, #tpu.memory_space<hbm>>) target(%arg7 : memref<125x80xi32, #tpu.memory_space<vmem>>) target_semaphore(%run_scoped3A : memref<!tpu.dma_semaphore, #tpu.memory_space<semaphore_mem>>)
      %dma_wait3A = arith.constant 0 : i32
      %dma_wait3A_16 = arith.constant 0 : i32
      %dma_wait3A_17 = tpu.memref_slice %arg3[%add3A, %dma_wait3A, %dma_wait3A_16] : memref<32x125x80xi32, #tpu.memory_space<hbm>> -> memref<1x125x80xi32, #tpu.memory_space<hbm>>
      %dma_wait3A_18 = tpu.memref_squeeze %dma_wait3A_17 : memref<1x125x80xi32, #tpu.memory_space<hbm>> -> memref<125x80xi32, #tpu.memory_space<hbm>>
      %dma_wait3A_19 = arith.constant 0 : i32
      %dma_wait3A_20 = arith.constant 0 : i32
      %dma_wait3A_21 = tpu.memref_slice %arg3[%add3A, %dma_wait3A_19, %dma_wait3A_20] : memref<32x125x80xi32, #tpu.memory_space<hbm>> -> memref<1x125x80xi32, #tpu.memory_space<hbm>>
      %dma_wait3A_22 = tpu.memref_squeeze %dma_wait3A_21 : memref<1x125x80xi32, #tpu.memory_space<hbm>> -> memref<125x80xi32, #tpu.memory_space<hbm>>
      tpu.wait_dma2 semaphore(%run_scoped3A : memref<!tpu.dma_semaphore, #tpu.memory_space<semaphore_mem>>) src(%dma_wait3A_22 : memref<125x80xi32, #tpu.memory_space<hbm>>) dst(%arg7 : memref<125x80xi32, #tpu.memory_space<vmem>>)
      tpu.yield
    }) : () -> ()
    "tpu.region"() ({
      %run_scoped3A = tpu.sem_alloc : memref<!tpu.dma_semaphore, #tpu.memory_space<semaphore_mem>>
      %dma_start3A = arith.constant 0 : i32
      %dma_start3A_9 = arith.constant 0 : i32
      %dma_start3A_10 = tpu.memref_slice %arg4[%add3A, %dma_start3A, %dma_start3A_9] : memref<32x125x80xi32, #tpu.memory_space<hbm>> -> memref<1x125x80xi32, #tpu.memory_space<hbm>>
      %dma_start3A_11 = tpu.memref_squeeze %dma_start3A_10 : memref<1x125x80xi32, #tpu.memory_space<hbm>> -> memref<125x80xi32, #tpu.memory_space<hbm>>
      %dma_start3A_12 = arith.constant 0 : i32
      %dma_start3A_13 = arith.constant 0 : i32
      %dma_start3A_14 = tpu.memref_slice %arg4[%add3A, %dma_start3A_12, %dma_start3A_13] : memref<32x125x80xi32, #tpu.memory_space<hbm>> -> memref<1x125x80xi32, #tpu.memory_space<hbm>>
      %dma_start3A_15 = tpu.memref_squeeze %dma_start3A_14 : memref<1x125x80xi32, #tpu.memory_space<hbm>> -> memref<125x80xi32, #tpu.memory_space<hbm>>
      tpu.enqueue_dma source(%dma_start3A_15 : memref<125x80xi32, #tpu.memory_space<hbm>>) target(%arg8 : memref<125x80xi32, #tpu.memory_space<vmem>>) target_semaphore(%run_scoped3A : memref<!tpu.dma_semaphore, #tpu.memory_space<semaphore_mem>>)
      %dma_wait3A = arith.constant 0 : i32
      %dma_wait3A_16 = arith.constant 0 : i32
      %dma_wait3A_17 = tpu.memref_slice %arg4[%add3A, %dma_wait3A, %dma_wait3A_16] : memref<32x125x80xi32, #tpu.memory_space<hbm>> -> memref<1x125x80xi32, #tpu.memory_space<hbm>>
      %dma_wait3A_18 = tpu.memref_squeeze %dma_wait3A_17 : memref<1x125x80xi32, #tpu.memory_space<hbm>> -> memref<125x80xi32, #tpu.memory_space<hbm>>
      %dma_wait3A_19 = arith.constant 0 : i32
      %dma_wait3A_20 = arith.constant 0 : i32
      %dma_wait3A_21 = tpu.memref_slice %arg4[%add3A, %dma_wait3A_19, %dma_wait3A_20] : memref<32x125x80xi32, #tpu.memory_space<hbm>> -> memref<1x125x80xi32, #tpu.memory_space<hbm>>
      %dma_wait3A_22 = tpu.memref_squeeze %dma_wait3A_21 : memref<1x125x80xi32, #tpu.memory_space<hbm>> -> memref<125x80xi32, #tpu.memory_space<hbm>>
      tpu.wait_dma2 semaphore(%run_scoped3A : memref<!tpu.dma_semaphore, #tpu.memory_space<semaphore_mem>>) src(%dma_wait3A_22 : memref<125x80xi32, #tpu.memory_space<hbm>>) dst(%arg8 : memref<125x80xi32, #tpu.memory_space<vmem>>)
      tpu.yield
    }) : () -> ()
    %mul3A_1 = arith.constant 640 : i32
    %mul3A_2 = arith.muli %arg1, %mul3A_1 : i32
    "tpu.region"() ({
      %run_scoped3A = tpu.sem_alloc : memref<!tpu.dma_semaphore, #tpu.memory_space<semaphore_mem>>
      %dma_start3A = arith.constant 0 : i32
      %dma_start3A_9 = tpu.memref_slice %arg10[%mul3A_2, %dma_start3A] : memref<10240x128xf32, #tpu.memory_space<vmem_shared>> -> memref<640x128xf32, #tpu.memory_space<vmem_shared>>
      tpu.enqueue_dma source(%arg5 : memref<640x128xf32, #tpu.memory_space<hbm>>) target(%dma_start3A_9 : memref<640x128xf32, #tpu.memory_space<vmem_shared>>) target_semaphore(%run_scoped3A : memref<!tpu.dma_semaphore, #tpu.memory_space<semaphore_mem>>)
      %dma_wait3A = arith.constant 0 : i32
      %dma_wait3A_10 = tpu.memref_slice %arg10[%mul3A_2, %dma_wait3A] : memref<10240x128xf32, #tpu.memory_space<vmem_shared>> -> memref<640x128xf32, #tpu.memory_space<vmem_shared>>
      tpu.wait_dma2 semaphore(%run_scoped3A : memref<!tpu.dma_semaphore, #tpu.memory_space<semaphore_mem>>) src(%arg5 : memref<640x128xf32, #tpu.memory_space<hbm>>) dst(%dma_wait3A_10 : memref<640x128xf32, #tpu.memory_space<vmem_shared>>)
      tpu.yield
    }) : () -> ()
    %barrier3A = arith.constant 0 : index
    tpu.barrier barrier_id(%barrier3A)
    %scan3A = arith.constant 0 : i32
    %scan3A_3 = arith.constant 0 : i32
    %scan3A_4 = arith.constant 125 : i32
    %scan3A_5 = arith.addi %scan3A_3, %scan3A_4 : i32
    %scan3A_6 = arith.constant 1 : i32
    scf.for %scan3A_9 = %scan3A_3 to %scan3A_5 step %scan3A_6  : i32 {
      %dma_start3A = arith.constant 0 : i32
      %dma_start3A_10 = tpu.memref_slice %arg7[%scan3A_9, %dma_start3A] : memref<125x80xi32, #tpu.memory_space<vmem>> -> memref<1x80xi32, #tpu.memory_space<vmem>>
      %dma_start3A_11 = tpu.memref_squeeze %dma_start3A_10 : memref<1x80xi32, #tpu.memory_space<vmem>> -> memref<80xi32, #tpu.memory_space<vmem>>
      %dma_start3A_12 = arith.constant 0 : i32
      %dma_start3A_13 = arith.constant 0 : i32
      %dma_start3A_14 = tpu.memref_slice %arg2[%dma_start3A_12, %dma_start3A_13] : memref<10000x128xf32, #tpu.memory_space<hbm>> -> memref<10000x128xf32, #tpu.memory_space<hbm>>
      tpu.enqueue_indirect_dma source(%dma_start3A_14 : memref<10000x128xf32, #tpu.memory_space<hbm>>) target(%arg9 : memref<80x128xf32, #tpu.memory_space<vmem>>) offsets(%dma_start3A_11 : memref<80xi32, #tpu.memory_space<vmem>>) semaphore(%arg11 : memref<!tpu.dma_semaphore, #tpu.memory_space<semaphore_mem>>)
      %dma_wait3A = arith.constant 0 : i32
      %dma_wait3A_15 = tpu.memref_slice %arg7[%scan3A_9, %dma_wait3A] : memref<125x80xi32, #tpu.memory_space<vmem>> -> memref<1x80xi32, #tpu.memory_space<vmem>>
      %dma_wait3A_16 = tpu.memref_squeeze %dma_wait3A_15 : memref<1x80xi32, #tpu.memory_space<vmem>> -> memref<80xi32, #tpu.memory_space<vmem>>
      %dma_wait3A_17 = arith.constant 0 : i32
      %dma_wait3A_18 = arith.constant 0 : i32
      %dma_wait3A_19 = tpu.memref_slice %arg2[%dma_wait3A_17, %dma_wait3A_18] : memref<10000x128xf32, #tpu.memory_space<hbm>> -> memref<10000x128xf32, #tpu.memory_space<hbm>>
      tpu.wait_indirect_dma semaphore(%arg11 : memref<!tpu.dma_semaphore, #tpu.memory_space<semaphore_mem>>) src(%dma_wait3A_19 : memref<10000x128xf32, #tpu.memory_space<hbm>>) dst(%arg9 : memref<80x128xf32, #tpu.memory_space<vmem>>)
      "tpu.region"() ({
        %run_scoped3A = tpu.sem_alloc : memref<!tpu.dma_semaphore, #tpu.memory_space<semaphore_mem>>
        %dma_start3A_20 = arith.constant 0 : i32
        %dma_start3A_21 = tpu.memref_slice %arg8[%scan3A_9, %dma_start3A_20] : memref<125x80xi32, #tpu.memory_space<vmem>> -> memref<1x80xi32, #tpu.memory_space<vmem>>
        %dma_start3A_22 = tpu.memref_squeeze %dma_start3A_21 : memref<1x80xi32, #tpu.memory_space<vmem>> -> memref<80xi32, #tpu.memory_space<vmem>>
        %dma_start3A_23 = arith.constant 0 : i32
        %dma_start3A_24 = arith.constant 0 : i32
        %dma_start3A_25 = tpu.memref_slice %arg10[%dma_start3A_23, %dma_start3A_24] : memref<10240x128xf32, #tpu.memory_space<vmem_shared>> -> memref<10240x128xf32, #tpu.memory_space<vmem_shared>>
        tpu.enqueue_indirect_dma source(%arg9 : memref<80x128xf32, #tpu.memory_space<vmem>>) target(%dma_start3A_25 : memref<10240x128xf32, #tpu.memory_space<vmem_shared>>) offsets(%dma_start3A_22 : memref<80xi32, #tpu.memory_space<vmem>>) semaphore(%run_scoped3A : memref<!tpu.dma_semaphore, #tpu.memory_space<semaphore_mem>>) {add = true}
        %dma_wait3A_26 = arith.constant 0 : i32
        %dma_wait3A_27 = tpu.memref_slice %arg8[%scan3A_9, %dma_wait3A_26] : memref<125x80xi32, #tpu.memory_space<vmem>> -> memref<1x80xi32, #tpu.memory_space<vmem>>
        %dma_wait3A_28 = tpu.memref_squeeze %dma_wait3A_27 : memref<1x80xi32, #tpu.memory_space<vmem>> -> memref<80xi32, #tpu.memory_space<vmem>>
        %dma_wait3A_29 = arith.constant 0 : i32
        %dma_wait3A_30 = arith.constant 0 : i32
        %dma_wait3A_31 = tpu.memref_slice %arg10[%dma_wait3A_29, %dma_wait3A_30] : memref<10240x128xf32, #tpu.memory_space<vmem_shared>> -> memref<10240x128xf32, #tpu.memory_space<vmem_shared>>
        tpu.wait_indirect_dma semaphore(%run_scoped3A : memref<!tpu.dma_semaphore, #tpu.memory_space<semaphore_mem>>) src(%arg9 : memref<80x128xf32, #tpu.memory_space<vmem>>) dst(%dma_wait3A_31 : memref<10240x128xf32, #tpu.memory_space<vmem_shared>>)
        tpu.yield
      }) : () -> ()
    }
    %scan3A_7 = arith.constant 125 : i32
    %barrier3A_8 = arith.constant 0 : index
    tpu.barrier barrier_id(%barrier3A_8)
    "tpu.region"() ({
      %run_scoped3A = tpu.sem_alloc : memref<!tpu.dma_semaphore, #tpu.memory_space<semaphore_mem>>
      %dma_start3A = arith.constant 0 : i32
      %dma_start3A_9 = arith.constant 0 : i32
      %dma_start3A_10 = tpu.memref_slice %arg6[%arg0, %dma_start3A, %dma_start3A_9] : memref<2x10240x128xf32, #tpu.memory_space<hbm>> -> memref<1x10240x128xf32, #tpu.memory_space<hbm>>
      %dma_start3A_11 = tpu.memref_squeeze %dma_start3A_10 : memref<1x10240x128xf32, #tpu.memory_space<hbm>> -> memref<10240x128xf32, #tpu.memory_space<hbm>>
      %dma_start3A_12 = arith.constant 0 : i32
      %dma_start3A_13 = tpu.memref_slice %dma_start3A_11[%mul3A_2, %dma_start3A_12] : memref<10240x128xf32, #tpu.memory_space<hbm>> -> memref<640x128xf32, #tpu.memory_space<hbm>>
      %dma_start3A_14 = arith.constant 0 : i32
      %dma_start3A_15 = tpu.memref_slice %arg10[%mul3A_2, %dma_start3A_14] : memref<10240x128xf32, #tpu.memory_space<vmem_shared>> -> memref<640x128xf32, #tpu.memory_space<vmem_shared>>
      tpu.enqueue_dma source(%dma_start3A_15 : memref<640x128xf32, #tpu.memory_space<vmem_shared>>) target(%dma_start3A_13 : memref<640x128xf32, #tpu.memory_space<hbm>>) target_semaphore(%run_scoped3A : memref<!tpu.dma_semaphore, #tpu.memory_space<semaphore_mem>>)
      %dma_wait3A = arith.constant 0 : i32
      %dma_wait3A_16 = arith.constant 0 : i32
      %dma_wait3A_17 = tpu.memref_slice %arg6[%arg0, %dma_wait3A, %dma_wait3A_16] : memref<2x10240x128xf32, #tpu.memory_space<hbm>> -> memref<1x10240x128xf32, #tpu.memory_space<hbm>>
      %dma_wait3A_18 = tpu.memref_squeeze %dma_wait3A_17 : memref<1x10240x128xf32, #tpu.memory_space<hbm>> -> memref<10240x128xf32, #tpu.memory_space<hbm>>
      %dma_wait3A_19 = arith.constant 0 : i32
      %dma_wait3A_20 = tpu.memref_slice %dma_wait3A_18[%mul3A_2, %dma_wait3A_19] : memref<10240x128xf32, #tpu.memory_space<hbm>> -> memref<640x128xf32, #tpu.memory_space<hbm>>
      %dma_wait3A_21 = arith.constant 0 : i32
      %dma_wait3A_22 = tpu.memref_slice %arg10[%mul3A_2, %dma_wait3A_21] : memref<10240x128xf32, #tpu.memory_space<vmem_shared>> -> memref<640x128xf32, #tpu.memory_space<vmem_shared>>
      tpu.wait_dma2 semaphore(%run_scoped3A : memref<!tpu.dma_semaphore, #tpu.memory_space<semaphore_mem>>) src(%dma_wait3A_22 : memref<640x128xf32, #tpu.memory_space<vmem_shared>>) dst(%dma_wait3A_20 : memref<640x128xf32, #tpu.memory_space<hbm>>)
      tpu.yield
    }) : () -> ()
    return
  }
}

#map = affine_map<(d0, d1) -> (0, 0)>
#map1 = affine_map<(d0, d1) -> (0, 0, 0)>
module attributes {stable_mosaic.version = 14 : i64} {
  func.func @_agg_body(%arg0: i32, %arg1: i32, %arg2: memref<10000x128xf32, #tpu.memory_space<hbm>>, %arg3: memref<32x125x80xi32, #tpu.memory_space<hbm>>, %arg4: memref<32x125x80xi32, #tpu.memory_space<hbm>>, %arg5: memref<640x128xf32, #tpu.memory_space<hbm>>, %arg6: memref<2x10240x128xf32, #tpu.memory_space<hbm>>, %arg7: memref<125x80xi32, #tpu.memory_space<vmem>>, %arg8: memref<125x80xi32, #tpu.memory_space<vmem>>, %arg9: memref<80x128xf32, #tpu.memory_space<vmem>>, %arg10: memref<10240x128xf32, #tpu.memory_space<vmem_shared>>, %arg11: memref<!tpu.dma_semaphore, #tpu.memory_space<semaphore_mem>>) attributes {dimension_semantics = [#tpu.dimension_semantics<core_parallel>, #tpu.dimension_semantics<subcore_parallel>], iteration_bounds = array<i64: 2, 16>, scalar_prefetch = 0 : i64, scratch_operands = 5 : i64, tpu.core_type = #tpu.core_type<sc_vector_subcore>, window_params = [{transform_indices = #map}, {transform_indices = #map1}, {transform_indices = #map1}, {transform_indices = #map}, {transform_indices = #map1}]} {
    %mul3A = arith.constant 16 : i32
    %mul3A_0 = arith.muli %arg0, %mul3A : i32
    %add3A = arith.addi %mul3A_0, %arg1 : i32
    "tpu.region"() ({
      %run_scoped3A = tpu.sem_alloc : memref<!tpu.dma_semaphore, #tpu.memory_space<semaphore_mem>>
      %dma_start3A = arith.constant 0 : i32
      %dma_start3A_9 = arith.constant 0 : i32
      %dma_start3A_10 = tpu.memref_slice %arg3[%add3A, %dma_start3A, %dma_start3A_9] : memref<32x125x80xi32, #tpu.memory_space<hbm>> -> memref<1x125x80xi32, #tpu.memory_space<hbm>>
      %dma_start3A_11 = tpu.memref_squeeze %dma_start3A_10 : memref<1x125x80xi32, #tpu.memory_space<hbm>> -> memref<125x80xi32, #tpu.memory_space<hbm>>
      %dma_start3A_12 = arith.constant 0 : i32
      %dma_start3A_13 = arith.constant 0 : i32
      %dma_start3A_14 = tpu.memref_slice %arg3[%add3A, %dma_start3A_12, %dma_start3A_13] : memref<32x125x80xi32, #tpu.memory_space<hbm>> -> memref<1x125x80xi32, #tpu.memory_space<hbm>>
      %dma_start3A_15 = tpu.memref_squeeze %dma_start3A_14 : memref<1x125x80xi32, #tpu.memory_space<hbm>> -> memref<125x80xi32, #tpu.memory_space<hbm>>
      tpu.enqueue_dma source(%dma_start3A_15 : memref<125x80xi32, #tpu.memory_space<hbm>>) target(%arg7 : memref<125x80xi32, #tpu.memory_space<vmem>>) target_semaphore(%run_scoped3A : memref<!tpu.dma_semaphore, #tpu.memory_space<semaphore_mem>>)
      %dma_wait3A = arith.constant 0 : i32
      %dma_wait3A_16 = arith.constant 0 : i32
      %dma_wait3A_17 = tpu.memref_slice %arg3[%add3A, %dma_wait3A, %dma_wait3A_16] : memref<32x125x80xi32, #tpu.memory_space<hbm>> -> memref<1x125x80xi32, #tpu.memory_space<hbm>>
      %dma_wait3A_18 = tpu.memref_squeeze %dma_wait3A_17 : memref<1x125x80xi32, #tpu.memory_space<hbm>> -> memref<125x80xi32, #tpu.memory_space<hbm>>
      %dma_wait3A_19 = arith.constant 0 : i32
      %dma_wait3A_20 = arith.constant 0 : i32
      %dma_wait3A_21 = tpu.memref_slice %arg3[%add3A, %dma_wait3A_19, %dma_wait3A_20] : memref<32x125x80xi32, #tpu.memory_space<hbm>> -> memref<1x125x80xi32, #tpu.memory_space<hbm>>
      %dma_wait3A_22 = tpu.memref_squeeze %dma_wait3A_21 : memref<1x125x80xi32, #tpu.memory_space<hbm>> -> memref<125x80xi32, #tpu.memory_space<hbm>>
      tpu.wait_dma2 semaphore(%run_scoped3A : memref<!tpu.dma_semaphore, #tpu.memory_space<semaphore_mem>>) src(%dma_wait3A_22 : memref<125x80xi32, #tpu.memory_space<hbm>>) dst(%arg7 : memref<125x80xi32, #tpu.memory_space<vmem>>)
      tpu.yield
    }) : () -> ()
    "tpu.region"() ({
      %run_scoped3A = tpu.sem_alloc : memref<!tpu.dma_semaphore, #tpu.memory_space<semaphore_mem>>
      %dma_start3A = arith.constant 0 : i32
      %dma_start3A_9 = arith.constant 0 : i32
      %dma_start3A_10 = tpu.memref_slice %arg4[%add3A, %dma_start3A, %dma_start3A_9] : memref<32x125x80xi32, #tpu.memory_space<hbm>> -> memref<1x125x80xi32, #tpu.memory_space<hbm>>
      %dma_start3A_11 = tpu.memref_squeeze %dma_start3A_10 : memref<1x125x80xi32, #tpu.memory_space<hbm>> -> memref<125x80xi32, #tpu.memory_space<hbm>>
      %dma_start3A_12 = arith.constant 0 : i32
      %dma_start3A_13 = arith.constant 0 : i32
      %dma_start3A_14 = tpu.memref_slice %arg4[%add3A, %dma_start3A_12, %dma_start3A_13] : memref<32x125x80xi32, #tpu.memory_space<hbm>> -> memref<1x125x80xi32, #tpu.memory_space<hbm>>
      %dma_start3A_15 = tpu.memref_squeeze %dma_start3A_14 : memref<1x125x80xi32, #tpu.memory_space<hbm>> -> memref<125x80xi32, #tpu.memory_space<hbm>>
      tpu.enqueue_dma source(%dma_start3A_15 : memref<125x80xi32, #tpu.memory_space<hbm>>) target(%arg8 : memref<125x80xi32, #tpu.memory_space<vmem>>) target_semaphore(%run_scoped3A : memref<!tpu.dma_semaphore, #tpu.memory_space<semaphore_mem>>)
      %dma_wait3A = arith.constant 0 : i32
      %dma_wait3A_16 = arith.constant 0 : i32
      %dma_wait3A_17 = tpu.memref_slice %arg4[%add3A, %dma_wait3A, %dma_wait3A_16] : memref<32x125x80xi32, #tpu.memory_space<hbm>> -> memref<1x125x80xi32, #tpu.memory_space<hbm>>
      %dma_wait3A_18 = tpu.memref_squeeze %dma_wait3A_17 : memref<1x125x80xi32, #tpu.memory_space<hbm>> -> memref<125x80xi32, #tpu.memory_space<hbm>>
      %dma_wait3A_19 = arith.constant 0 : i32
      %dma_wait3A_20 = arith.constant 0 : i32
      %dma_wait3A_21 = tpu.memref_slice %arg4[%add3A, %dma_wait3A_19, %dma_wait3A_20] : memref<32x125x80xi32, #tpu.memory_space<hbm>> -> memref<1x125x80xi32, #tpu.memory_space<hbm>>
      %dma_wait3A_22 = tpu.memref_squeeze %dma_wait3A_21 : memref<1x125x80xi32, #tpu.memory_space<hbm>> -> memref<125x80xi32, #tpu.memory_space<hbm>>
      tpu.wait_dma2 semaphore(%run_scoped3A : memref<!tpu.dma_semaphore, #tpu.memory_space<semaphore_mem>>) src(%dma_wait3A_22 : memref<125x80xi32, #tpu.memory_space<hbm>>) dst(%arg8 : memref<125x80xi32, #tpu.memory_space<vmem>>)
      tpu.yield
    }) : () -> ()
    %mul3A_1 = arith.constant 640 : i32
    %mul3A_2 = arith.muli %arg1, %mul3A_1 : i32
    "tpu.region"() ({
      %run_scoped3A = tpu.sem_alloc : memref<!tpu.dma_semaphore, #tpu.memory_space<semaphore_mem>>
      %dma_start3A = arith.constant 0 : i32
      %dma_start3A_9 = tpu.memref_slice %arg10[%mul3A_2, %dma_start3A] : memref<10240x128xf32, #tpu.memory_space<vmem_shared>> -> memref<640x128xf32, #tpu.memory_space<vmem_shared>>
      tpu.enqueue_dma source(%arg5 : memref<640x128xf32, #tpu.memory_space<hbm>>) target(%dma_start3A_9 : memref<640x128xf32, #tpu.memory_space<vmem_shared>>) target_semaphore(%run_scoped3A : memref<!tpu.dma_semaphore, #tpu.memory_space<semaphore_mem>>)
      %dma_wait3A = arith.constant 0 : i32
      %dma_wait3A_10 = tpu.memref_slice %arg10[%mul3A_2, %dma_wait3A] : memref<10240x128xf32, #tpu.memory_space<vmem_shared>> -> memref<640x128xf32, #tpu.memory_space<vmem_shared>>
      tpu.wait_dma2 semaphore(%run_scoped3A : memref<!tpu.dma_semaphore, #tpu.memory_space<semaphore_mem>>) src(%arg5 : memref<640x128xf32, #tpu.memory_space<hbm>>) dst(%dma_wait3A_10 : memref<640x128xf32, #tpu.memory_space<vmem_shared>>)
      tpu.yield
    }) : () -> ()
    %barrier3A = arith.constant 0 : index
    tpu.barrier barrier_id(%barrier3A)
    %scan3A = arith.constant 0 : i32
    %scan3A_3 = arith.constant 0 : i32
    %scan3A_4 = arith.constant 125 : i32
    %scan3A_5 = arith.addi %scan3A_3, %scan3A_4 : i32
    %scan3A_6 = arith.constant 1 : i32
    scf.for %scan3A_9 = %scan3A_3 to %scan3A_5 step %scan3A_6  : i32 {
      %dma_start3A = arith.constant 0 : i32
      %dma_start3A_10 = tpu.memref_slice %arg7[%scan3A_9, %dma_start3A] : memref<125x80xi32, #tpu.memory_space<vmem>> -> memref<1x80xi32, #tpu.memory_space<vmem>>
      %dma_start3A_11 = tpu.memref_squeeze %dma_start3A_10 : memref<1x80xi32, #tpu.memory_space<vmem>> -> memref<80xi32, #tpu.memory_space<vmem>>
      %dma_start3A_12 = arith.constant 0 : i32
      %dma_start3A_13 = arith.constant 0 : i32
      %dma_start3A_14 = tpu.memref_slice %arg2[%dma_start3A_12, %dma_start3A_13] : memref<10000x128xf32, #tpu.memory_space<hbm>> -> memref<10000x128xf32, #tpu.memory_space<hbm>>
      tpu.enqueue_indirect_dma source(%dma_start3A_14 : memref<10000x128xf32, #tpu.memory_space<hbm>>) target(%arg9 : memref<80x128xf32, #tpu.memory_space<vmem>>) offsets(%dma_start3A_11 : memref<80xi32, #tpu.memory_space<vmem>>) semaphore(%arg11 : memref<!tpu.dma_semaphore, #tpu.memory_space<semaphore_mem>>)
      %dma_wait3A = arith.constant 0 : i32
      %dma_wait3A_15 = tpu.memref_slice %arg7[%scan3A_9, %dma_wait3A] : memref<125x80xi32, #tpu.memory_space<vmem>> -> memref<1x80xi32, #tpu.memory_space<vmem>>
      %dma_wait3A_16 = tpu.memref_squeeze %dma_wait3A_15 : memref<1x80xi32, #tpu.memory_space<vmem>> -> memref<80xi32, #tpu.memory_space<vmem>>
      %dma_wait3A_17 = arith.constant 0 : i32
      %dma_wait3A_18 = arith.constant 0 : i32
      %dma_wait3A_19 = tpu.memref_slice %arg2[%dma_wait3A_17, %dma_wait3A_18] : memref<10000x128xf32, #tpu.memory_space<hbm>> -> memref<10000x128xf32, #tpu.memory_space<hbm>>
      tpu.wait_indirect_dma semaphore(%arg11 : memref<!tpu.dma_semaphore, #tpu.memory_space<semaphore_mem>>) src(%dma_wait3A_19 : memref<10000x128xf32, #tpu.memory_space<hbm>>) dst(%arg9 : memref<80x128xf32, #tpu.memory_space<vmem>>)
      "tpu.region"() ({
        %run_scoped3A = tpu.sem_alloc : memref<!tpu.dma_semaphore, #tpu.memory_space<semaphore_mem>>
        %dma_start3A_20 = arith.constant 0 : i32
        %dma_start3A_21 = tpu.memref_slice %arg8[%scan3A_9, %dma_start3A_20] : memref<125x80xi32, #tpu.memory_space<vmem>> -> memref<1x80xi32, #tpu.memory_space<vmem>>
        %dma_start3A_22 = tpu.memref_squeeze %dma_start3A_21 : memref<1x80xi32, #tpu.memory_space<vmem>> -> memref<80xi32, #tpu.memory_space<vmem>>
        %dma_start3A_23 = arith.constant 0 : i32
        %dma_start3A_24 = arith.constant 0 : i32
        %dma_start3A_25 = tpu.memref_slice %arg10[%dma_start3A_23, %dma_start3A_24] : memref<10240x128xf32, #tpu.memory_space<vmem_shared>> -> memref<10240x128xf32, #tpu.memory_space<vmem_shared>>
        tpu.enqueue_indirect_dma source(%arg9 : memref<80x128xf32, #tpu.memory_space<vmem>>) target(%dma_start3A_25 : memref<10240x128xf32, #tpu.memory_space<vmem_shared>>) offsets(%dma_start3A_22 : memref<80xi32, #tpu.memory_space<vmem>>) semaphore(%run_scoped3A : memref<!tpu.dma_semaphore, #tpu.memory_space<semaphore_mem>>) {add = true}
        %dma_wait3A_26 = arith.constant 0 : i32
        %dma_wait3A_27 = tpu.memref_slice %arg8[%scan3A_9, %dma_wait3A_26] : memref<125x80xi32, #tpu.memory_space<vmem>> -> memref<1x80xi32, #tpu.memory_space<vmem>>
        %dma_wait3A_28 = tpu.memref_squeeze %dma_wait3A_27 : memref<1x80xi32, #tpu.memory_space<vmem>> -> memref<80xi32, #tpu.memory_space<vmem>>
        %dma_wait3A_29 = arith.constant 0 : i32
        %dma_wait3A_30 = arith.constant 0 : i32
        %dma_wait3A_31 = tpu.memref_slice %arg10[%dma_wait3A_29, %dma_wait3A_30] : memref<10240x128xf32, #tpu.memory_space<vmem_shared>> -> memref<10240x128xf32, #tpu.memory_space<vmem_shared>>
        tpu.wait_indirect_dma semaphore(%run_scoped3A : memref<!tpu.dma_semaphore, #tpu.memory_space<semaphore_mem>>) src(%arg9 : memref<80x128xf32, #tpu.memory_space<vmem>>) dst(%dma_wait3A_31 : memref<10240x128xf32, #tpu.memory_space<vmem_shared>>)
        tpu.yield
      }) : () -> ()
    }
    %scan3A_7 = arith.constant 125 : i32
    %barrier3A_8 = arith.constant 0 : index
    tpu.barrier barrier_id(%barrier3A_8)
    "tpu.region"() ({
      %run_scoped3A = tpu.sem_alloc : memref<!tpu.dma_semaphore, #tpu.memory_space<semaphore_mem>>
      %dma_start3A = arith.constant 0 : i32
      %dma_start3A_9 = arith.constant 0 : i32
      %dma_start3A_10 = tpu.memref_slice %arg6[%arg0, %dma_start3A, %dma_start3A_9] : memref<2x10240x128xf32, #tpu.memory_space<hbm>> -> memref<1x10240x128xf32, #tpu.memory_space<hbm>>
      %dma_start3A_11 = tpu.memref_squeeze %dma_start3A_10 : memref<1x10240x128xf32, #tpu.memory_space<hbm>> -> memref<10240x128xf32, #tpu.memory_space<hbm>>
      %dma_start3A_12 = arith.constant 0 : i32
      %dma_start3A_13 = tpu.memref_slice %dma_start3A_11[%mul3A_2, %dma_start3A_12] : memref<10240x128xf32, #tpu.memory_space<hbm>> -> memref<640x128xf32, #tpu.memory_space<hbm>>
      %dma_start3A_14 = arith.constant 0 : i32
      %dma_start3A_15 = tpu.memref_slice %arg10[%mul3A_2, %dma_start3A_14] : memref<10240x128xf32, #tpu.memory_space<vmem_shared>> -> memref<640x128xf32, #tpu.memory_space<vmem_shared>>
      tpu.enqueue_dma source(%dma_start3A_15 : memref<640x128xf32, #tpu.memory_space<vmem_shared>>) target(%dma_start3A_13 : memref<640x128xf32, #tpu.memory_space<hbm>>) target_semaphore(%run_scoped3A : memref<!tpu.dma_semaphore, #tpu.memory_space<semaphore_mem>>)
      %dma_wait3A = arith.constant 0 : i32
      %dma_wait3A_16 = arith.constant 0 : i32
      %dma_wait3A_17 = tpu.memref_slice %arg6[%arg0, %dma_wait3A, %dma_wait3A_16] : memref<2x10240x128xf32, #tpu.memory_space<hbm>> -> memref<1x10240x128xf32, #tpu.memory_space<hbm>>
      %dma_wait3A_18 = tpu.memref_squeeze %dma_wait3A_17 : memref<1x10240x128xf32, #tpu.memory_space<hbm>> -> memref<10240x128xf32, #tpu.memory_space<hbm>>
      %dma_wait3A_19 = arith.constant 0 : i32
      %dma_wait3A_20 = tpu.memref_slice %dma_wait3A_18[%mul3A_2, %dma_wait3A_19] : memref<10240x128xf32, #tpu.memory_space<hbm>> -> memref<640x128xf32, #tpu.memory_space<hbm>>
      %dma_wait3A_21 = arith.constant 0 : i32
      %dma_wait3A_22 = tpu.memref_slice %arg10[%mul3A_2, %dma_wait3A_21] : memref<10240x128xf32, #tpu.memory_space<vmem_shared>> -> memref<640x128xf32, #tpu.memory_space<vmem_shared>>
      tpu.wait_dma2 semaphore(%run_scoped3A : memref<!tpu.dma_semaphore, #tpu.memory_space<semaphore_mem>>) src(%dma_wait3A_22 : memref<640x128xf32, #tpu.memory_space<vmem_shared>>) dst(%dma_wait3A_20 : memref<640x128xf32, #tpu.memory_space<hbm>>)
      tpu.yield
    }) : () -> ()
    return
  }
}

#map = affine_map<(d0, d1) -> (0, 0)>
#map1 = affine_map<(d0, d1) -> (0, 0, 0)>
module attributes {stable_mosaic.version = 14 : i64} {
  func.func @_agg_body(%arg0: i32, %arg1: i32, %arg2: memref<10000x128xf32, #tpu.memory_space<hbm>>, %arg3: memref<32x125x80xi32, #tpu.memory_space<hbm>>, %arg4: memref<32x125x80xi32, #tpu.memory_space<hbm>>, %arg5: memref<640x128xf32, #tpu.memory_space<hbm>>, %arg6: memref<2x10240x128xf32, #tpu.memory_space<hbm>>, %arg7: memref<125x80xi32, #tpu.memory_space<vmem>>, %arg8: memref<125x80xi32, #tpu.memory_space<vmem>>, %arg9: memref<80x128xf32, #tpu.memory_space<vmem>>, %arg10: memref<10240x128xf32, #tpu.memory_space<vmem_shared>>, %arg11: memref<!tpu.dma_semaphore, #tpu.memory_space<semaphore_mem>>) attributes {dimension_semantics = [#tpu.dimension_semantics<core_parallel>, #tpu.dimension_semantics<subcore_parallel>], iteration_bounds = array<i64: 2, 16>, scalar_prefetch = 0 : i64, scratch_operands = 5 : i64, tpu.core_type = #tpu.core_type<sc_vector_subcore>, window_params = [{transform_indices = #map}, {transform_indices = #map1}, {transform_indices = #map1}, {transform_indices = #map}, {transform_indices = #map1}]} {
    %mul3A = arith.constant 16 : i32
    %mul3A_0 = arith.muli %arg0, %mul3A : i32
    %add3A = arith.addi %mul3A_0, %arg1 : i32
    "tpu.region"() ({
      %run_scoped3A = tpu.sem_alloc : memref<!tpu.dma_semaphore, #tpu.memory_space<semaphore_mem>>
      %dma_start3A = arith.constant 0 : i32
      %dma_start3A_9 = arith.constant 0 : i32
      %dma_start3A_10 = tpu.memref_slice %arg3[%add3A, %dma_start3A, %dma_start3A_9] : memref<32x125x80xi32, #tpu.memory_space<hbm>> -> memref<1x125x80xi32, #tpu.memory_space<hbm>>
      %dma_start3A_11 = tpu.memref_squeeze %dma_start3A_10 : memref<1x125x80xi32, #tpu.memory_space<hbm>> -> memref<125x80xi32, #tpu.memory_space<hbm>>
      %dma_start3A_12 = arith.constant 0 : i32
      %dma_start3A_13 = arith.constant 0 : i32
      %dma_start3A_14 = tpu.memref_slice %arg3[%add3A, %dma_start3A_12, %dma_start3A_13] : memref<32x125x80xi32, #tpu.memory_space<hbm>> -> memref<1x125x80xi32, #tpu.memory_space<hbm>>
      %dma_start3A_15 = tpu.memref_squeeze %dma_start3A_14 : memref<1x125x80xi32, #tpu.memory_space<hbm>> -> memref<125x80xi32, #tpu.memory_space<hbm>>
      tpu.enqueue_dma source(%dma_start3A_15 : memref<125x80xi32, #tpu.memory_space<hbm>>) target(%arg7 : memref<125x80xi32, #tpu.memory_space<vmem>>) target_semaphore(%run_scoped3A : memref<!tpu.dma_semaphore, #tpu.memory_space<semaphore_mem>>)
      %dma_wait3A = arith.constant 0 : i32
      %dma_wait3A_16 = arith.constant 0 : i32
      %dma_wait3A_17 = tpu.memref_slice %arg3[%add3A, %dma_wait3A, %dma_wait3A_16] : memref<32x125x80xi32, #tpu.memory_space<hbm>> -> memref<1x125x80xi32, #tpu.memory_space<hbm>>
      %dma_wait3A_18 = tpu.memref_squeeze %dma_wait3A_17 : memref<1x125x80xi32, #tpu.memory_space<hbm>> -> memref<125x80xi32, #tpu.memory_space<hbm>>
      %dma_wait3A_19 = arith.constant 0 : i32
      %dma_wait3A_20 = arith.constant 0 : i32
      %dma_wait3A_21 = tpu.memref_slice %arg3[%add3A, %dma_wait3A_19, %dma_wait3A_20] : memref<32x125x80xi32, #tpu.memory_space<hbm>> -> memref<1x125x80xi32, #tpu.memory_space<hbm>>
      %dma_wait3A_22 = tpu.memref_squeeze %dma_wait3A_21 : memref<1x125x80xi32, #tpu.memory_space<hbm>> -> memref<125x80xi32, #tpu.memory_space<hbm>>
      tpu.wait_dma2 semaphore(%run_scoped3A : memref<!tpu.dma_semaphore, #tpu.memory_space<semaphore_mem>>) src(%dma_wait3A_22 : memref<125x80xi32, #tpu.memory_space<hbm>>) dst(%arg7 : memref<125x80xi32, #tpu.memory_space<vmem>>)
      tpu.yield
    }) : () -> ()
    "tpu.region"() ({
      %run_scoped3A = tpu.sem_alloc : memref<!tpu.dma_semaphore, #tpu.memory_space<semaphore_mem>>
      %dma_start3A = arith.constant 0 : i32
      %dma_start3A_9 = arith.constant 0 : i32
      %dma_start3A_10 = tpu.memref_slice %arg4[%add3A, %dma_start3A, %dma_start3A_9] : memref<32x125x80xi32, #tpu.memory_space<hbm>> -> memref<1x125x80xi32, #tpu.memory_space<hbm>>
      %dma_start3A_11 = tpu.memref_squeeze %dma_start3A_10 : memref<1x125x80xi32, #tpu.memory_space<hbm>> -> memref<125x80xi32, #tpu.memory_space<hbm>>
      %dma_start3A_12 = arith.constant 0 : i32
      %dma_start3A_13 = arith.constant 0 : i32
      %dma_start3A_14 = tpu.memref_slice %arg4[%add3A, %dma_start3A_12, %dma_start3A_13] : memref<32x125x80xi32, #tpu.memory_space<hbm>> -> memref<1x125x80xi32, #tpu.memory_space<hbm>>
      %dma_start3A_15 = tpu.memref_squeeze %dma_start3A_14 : memref<1x125x80xi32, #tpu.memory_space<hbm>> -> memref<125x80xi32, #tpu.memory_space<hbm>>
      tpu.enqueue_dma source(%dma_start3A_15 : memref<125x80xi32, #tpu.memory_space<hbm>>) target(%arg8 : memref<125x80xi32, #tpu.memory_space<vmem>>) target_semaphore(%run_scoped3A : memref<!tpu.dma_semaphore, #tpu.memory_space<semaphore_mem>>)
      %dma_wait3A = arith.constant 0 : i32
      %dma_wait3A_16 = arith.constant 0 : i32
      %dma_wait3A_17 = tpu.memref_slice %arg4[%add3A, %dma_wait3A, %dma_wait3A_16] : memref<32x125x80xi32, #tpu.memory_space<hbm>> -> memref<1x125x80xi32, #tpu.memory_space<hbm>>
      %dma_wait3A_18 = tpu.memref_squeeze %dma_wait3A_17 : memref<1x125x80xi32, #tpu.memory_space<hbm>> -> memref<125x80xi32, #tpu.memory_space<hbm>>
      %dma_wait3A_19 = arith.constant 0 : i32
      %dma_wait3A_20 = arith.constant 0 : i32
      %dma_wait3A_21 = tpu.memref_slice %arg4[%add3A, %dma_wait3A_19, %dma_wait3A_20] : memref<32x125x80xi32, #tpu.memory_space<hbm>> -> memref<1x125x80xi32, #tpu.memory_space<hbm>>
      %dma_wait3A_22 = tpu.memref_squeeze %dma_wait3A_21 : memref<1x125x80xi32, #tpu.memory_space<hbm>> -> memref<125x80xi32, #tpu.memory_space<hbm>>
      tpu.wait_dma2 semaphore(%run_scoped3A : memref<!tpu.dma_semaphore, #tpu.memory_space<semaphore_mem>>) src(%dma_wait3A_22 : memref<125x80xi32, #tpu.memory_space<hbm>>) dst(%arg8 : memref<125x80xi32, #tpu.memory_space<vmem>>)
      tpu.yield
    }) : () -> ()
    %mul3A_1 = arith.constant 640 : i32
    %mul3A_2 = arith.muli %arg1, %mul3A_1 : i32
    "tpu.region"() ({
      %run_scoped3A = tpu.sem_alloc : memref<!tpu.dma_semaphore, #tpu.memory_space<semaphore_mem>>
      %dma_start3A = arith.constant 0 : i32
      %dma_start3A_9 = tpu.memref_slice %arg10[%mul3A_2, %dma_start3A] : memref<10240x128xf32, #tpu.memory_space<vmem_shared>> -> memref<640x128xf32, #tpu.memory_space<vmem_shared>>
      tpu.enqueue_dma source(%arg5 : memref<640x128xf32, #tpu.memory_space<hbm>>) target(%dma_start3A_9 : memref<640x128xf32, #tpu.memory_space<vmem_shared>>) target_semaphore(%run_scoped3A : memref<!tpu.dma_semaphore, #tpu.memory_space<semaphore_mem>>)
      %dma_wait3A = arith.constant 0 : i32
      %dma_wait3A_10 = tpu.memref_slice %arg10[%mul3A_2, %dma_wait3A] : memref<10240x128xf32, #tpu.memory_space<vmem_shared>> -> memref<640x128xf32, #tpu.memory_space<vmem_shared>>
      tpu.wait_dma2 semaphore(%run_scoped3A : memref<!tpu.dma_semaphore, #tpu.memory_space<semaphore_mem>>) src(%arg5 : memref<640x128xf32, #tpu.memory_space<hbm>>) dst(%dma_wait3A_10 : memref<640x128xf32, #tpu.memory_space<vmem_shared>>)
      tpu.yield
    }) : () -> ()
    %barrier3A = arith.constant 0 : index
    tpu.barrier barrier_id(%barrier3A)
    %scan3A = arith.constant 0 : i32
    %scan3A_3 = arith.constant 0 : i32
    %scan3A_4 = arith.constant 125 : i32
    %scan3A_5 = arith.addi %scan3A_3, %scan3A_4 : i32
    %scan3A_6 = arith.constant 1 : i32
    scf.for %scan3A_9 = %scan3A_3 to %scan3A_5 step %scan3A_6  : i32 {
      %dma_start3A = arith.constant 0 : i32
      %dma_start3A_10 = tpu.memref_slice %arg7[%scan3A_9, %dma_start3A] : memref<125x80xi32, #tpu.memory_space<vmem>> -> memref<1x80xi32, #tpu.memory_space<vmem>>
      %dma_start3A_11 = tpu.memref_squeeze %dma_start3A_10 : memref<1x80xi32, #tpu.memory_space<vmem>> -> memref<80xi32, #tpu.memory_space<vmem>>
      %dma_start3A_12 = arith.constant 0 : i32
      %dma_start3A_13 = arith.constant 0 : i32
      %dma_start3A_14 = tpu.memref_slice %arg2[%dma_start3A_12, %dma_start3A_13] : memref<10000x128xf32, #tpu.memory_space<hbm>> -> memref<10000x128xf32, #tpu.memory_space<hbm>>
      tpu.enqueue_indirect_dma source(%dma_start3A_14 : memref<10000x128xf32, #tpu.memory_space<hbm>>) target(%arg9 : memref<80x128xf32, #tpu.memory_space<vmem>>) offsets(%dma_start3A_11 : memref<80xi32, #tpu.memory_space<vmem>>) semaphore(%arg11 : memref<!tpu.dma_semaphore, #tpu.memory_space<semaphore_mem>>)
      %dma_wait3A = arith.constant 0 : i32
      %dma_wait3A_15 = tpu.memref_slice %arg7[%scan3A_9, %dma_wait3A] : memref<125x80xi32, #tpu.memory_space<vmem>> -> memref<1x80xi32, #tpu.memory_space<vmem>>
      %dma_wait3A_16 = tpu.memref_squeeze %dma_wait3A_15 : memref<1x80xi32, #tpu.memory_space<vmem>> -> memref<80xi32, #tpu.memory_space<vmem>>
      %dma_wait3A_17 = arith.constant 0 : i32
      %dma_wait3A_18 = arith.constant 0 : i32
      %dma_wait3A_19 = tpu.memref_slice %arg2[%dma_wait3A_17, %dma_wait3A_18] : memref<10000x128xf32, #tpu.memory_space<hbm>> -> memref<10000x128xf32, #tpu.memory_space<hbm>>
      tpu.wait_indirect_dma semaphore(%arg11 : memref<!tpu.dma_semaphore, #tpu.memory_space<semaphore_mem>>) src(%dma_wait3A_19 : memref<10000x128xf32, #tpu.memory_space<hbm>>) dst(%arg9 : memref<80x128xf32, #tpu.memory_space<vmem>>)
      "tpu.region"() ({
        %run_scoped3A = tpu.sem_alloc : memref<!tpu.dma_semaphore, #tpu.memory_space<semaphore_mem>>
        %dma_start3A_20 = arith.constant 0 : i32
        %dma_start3A_21 = tpu.memref_slice %arg8[%scan3A_9, %dma_start3A_20] : memref<125x80xi32, #tpu.memory_space<vmem>> -> memref<1x80xi32, #tpu.memory_space<vmem>>
        %dma_start3A_22 = tpu.memref_squeeze %dma_start3A_21 : memref<1x80xi32, #tpu.memory_space<vmem>> -> memref<80xi32, #tpu.memory_space<vmem>>
        %dma_start3A_23 = arith.constant 0 : i32
        %dma_start3A_24 = arith.constant 0 : i32
        %dma_start3A_25 = tpu.memref_slice %arg10[%dma_start3A_23, %dma_start3A_24] : memref<10240x128xf32, #tpu.memory_space<vmem_shared>> -> memref<10240x128xf32, #tpu.memory_space<vmem_shared>>
        tpu.enqueue_indirect_dma source(%arg9 : memref<80x128xf32, #tpu.memory_space<vmem>>) target(%dma_start3A_25 : memref<10240x128xf32, #tpu.memory_space<vmem_shared>>) offsets(%dma_start3A_22 : memref<80xi32, #tpu.memory_space<vmem>>) semaphore(%run_scoped3A : memref<!tpu.dma_semaphore, #tpu.memory_space<semaphore_mem>>) {add = true}
        %dma_wait3A_26 = arith.constant 0 : i32
        %dma_wait3A_27 = tpu.memref_slice %arg8[%scan3A_9, %dma_wait3A_26] : memref<125x80xi32, #tpu.memory_space<vmem>> -> memref<1x80xi32, #tpu.memory_space<vmem>>
        %dma_wait3A_28 = tpu.memref_squeeze %dma_wait3A_27 : memref<1x80xi32, #tpu.memory_space<vmem>> -> memref<80xi32, #tpu.memory_space<vmem>>
        %dma_wait3A_29 = arith.constant 0 : i32
        %dma_wait3A_30 = arith.constant 0 : i32
        %dma_wait3A_31 = tpu.memref_slice %arg10[%dma_wait3A_29, %dma_wait3A_30] : memref<10240x128xf32, #tpu.memory_space<vmem_shared>> -> memref<10240x128xf32, #tpu.memory_space<vmem_shared>>
        tpu.wait_indirect_dma semaphore(%run_scoped3A : memref<!tpu.dma_semaphore, #tpu.memory_space<semaphore_mem>>) src(%arg9 : memref<80x128xf32, #tpu.memory_space<vmem>>) dst(%dma_wait3A_31 : memref<10240x128xf32, #tpu.memory_space<vmem_shared>>)
        tpu.yield
      }) : () -> ()
    }
    %scan3A_7 = arith.constant 125 : i32
    %barrier3A_8 = arith.constant 0 : index
    tpu.barrier barrier_id(%barrier3A_8)
    "tpu.region"() ({
      %run_scoped3A = tpu.sem_alloc : memref<!tpu.dma_semaphore, #tpu.memory_space<semaphore_mem>>
      %dma_start3A = arith.constant 0 : i32
      %dma_start3A_9 = arith.constant 0 : i32
      %dma_start3A_10 = tpu.memref_slice %arg6[%arg0, %dma_start3A, %dma_start3A_9] : memref<2x10240x128xf32, #tpu.memory_space<hbm>> -> memref<1x10240x128xf32, #tpu.memory_space<hbm>>
      %dma_start3A_11 = tpu.memref_squeeze %dma_start3A_10 : memref<1x10240x128xf32, #tpu.memory_space<hbm>> -> memref<10240x128xf32, #tpu.memory_space<hbm>>
      %dma_start3A_12 = arith.constant 0 : i32
      %dma_start3A_13 = tpu.memref_slice %dma_start3A_11[%mul3A_2, %dma_start3A_12] : memref<10240x128xf32, #tpu.memory_space<hbm>> -> memref<640x128xf32, #tpu.memory_space<hbm>>
      %dma_start3A_14 = arith.constant 0 : i32
      %dma_start3A_15 = tpu.memref_slice %arg10[%mul3A_2, %dma_start3A_14] : memref<10240x128xf32, #tpu.memory_space<vmem_shared>> -> memref<640x128xf32, #tpu.memory_space<vmem_shared>>
      tpu.enqueue_dma source(%dma_start3A_15 : memref<640x128xf32, #tpu.memory_space<vmem_shared>>) target(%dma_start3A_13 : memref<640x128xf32, #tpu.memory_space<hbm>>) target_semaphore(%run_scoped3A : memref<!tpu.dma_semaphore, #tpu.memory_space<semaphore_mem>>)
      %dma_wait3A = arith.constant 0 : i32
      %dma_wait3A_16 = arith.constant 0 : i32
      %dma_wait3A_17 = tpu.memref_slice %arg6[%arg0, %dma_wait3A, %dma_wait3A_16] : memref<2x10240x128xf32, #tpu.memory_space<hbm>> -> memref<1x10240x128xf32, #tpu.memory_space<hbm>>
      %dma_wait3A_18 = tpu.memref_squeeze %dma_wait3A_17 : memref<1x10240x128xf32, #tpu.memory_space<hbm>> -> memref<10240x128xf32, #tpu.memory_space<hbm>>
      %dma_wait3A_19 = arith.constant 0 : i32
      %dma_wait3A_20 = tpu.memref_slice %dma_wait3A_18[%mul3A_2, %dma_wait3A_19] : memref<10240x128xf32, #tpu.memory_space<hbm>> -> memref<640x128xf32, #tpu.memory_space<hbm>>
      %dma_wait3A_21 = arith.constant 0 : i32
      %dma_wait3A_22 = tpu.memref_slice %arg10[%mul3A_2, %dma_wait3A_21] : memref<10240x128xf32, #tpu.memory_space<vmem_shared>> -> memref<640x128xf32, #tpu.memory_space<vmem_shared>>
      tpu.wait_dma2 semaphore(%run_scoped3A : memref<!tpu.dma_semaphore, #tpu.memory_space<semaphore_mem>>) src(%dma_wait3A_22 : memref<640x128xf32, #tpu.memory_space<vmem_shared>>) dst(%dma_wait3A_20 : memref<640x128xf32, #tpu.memory_space<hbm>>)
      tpu.yield
    }) : () -> ()
    return
  }
}

module attributes {stable_mosaic.version = 14 : i64} {
  func.func @_mlp_body(%arg0: i32, %arg1: memref<1000x128xf32, #tpu.memory_space<vmem>>, %arg2: memref<1000x128xf32, #tpu.memory_space<vmem>>, %arg3: memref<1000x128xf32, #tpu.memory_space<vmem>>, %arg4: memref<128x128xf32, #tpu.memory_space<vmem>>, %arg5: memref<1x128xf32, #tpu.memory_space<vmem>>, %arg6: memref<128x128xf32, #tpu.memory_space<vmem>>, %arg7: memref<1x128xf32, #tpu.memory_space<vmem>>, %arg8: memref<1x128xf32, #tpu.memory_space<vmem>>, %arg9: memref<1000x128xf32, #tpu.memory_space<vmem>>) attributes {dimension_semantics = [#tpu.dimension_semantics<arbitrary>], iteration_bounds = array<i64: 10>, scalar_prefetch = 0 : i64, scratch_operands = 0 : i64, tpu.core_type = #tpu.core_type<tc>, window_params = [{transform_indices = @transform_0, window_bounds = array<i64: 1000, 128>}, {transform_indices = @transform_1, window_bounds = array<i64: 1000, 128>}, {transform_indices = @transform_2, window_bounds = array<i64: 1000, 128>}, {pipeline_mode = #tpu.pipeline_mode<synchronous>, transform_indices = @transform_3, window_bounds = array<i64: 128, 128>}, {pipeline_mode = #tpu.pipeline_mode<synchronous>, transform_indices = @transform_4, window_bounds = array<i64: 1, 128>}, {pipeline_mode = #tpu.pipeline_mode<synchronous>, transform_indices = @transform_5, window_bounds = array<i64: 128, 128>}, {pipeline_mode = #tpu.pipeline_mode<synchronous>, transform_indices = @transform_6, window_bounds = array<i64: 1, 128>}, {pipeline_mode = #tpu.pipeline_mode<synchronous>, transform_indices = @transform_7, window_bounds = array<i64: 1, 128>}, {transform_indices = @transform_8, window_bounds = array<i64: 1000, 128>}]} {
    %get3A = arith.constant 0 : index
    %get3A_0 = arith.constant 0 : index
    %get3A_1 = vector.load %arg1[%get3A, %get3A_0] : memref<1000x128xf32, #tpu.memory_space<vmem>>, vector<1000x128xf32>
    %get3A_2 = arith.constant 0 : index
    %get3A_3 = arith.constant 0 : index
    %get3A_4 = vector.load %arg2[%get3A_2, %get3A_3] : memref<1000x128xf32, #tpu.memory_space<vmem>>, vector<1000x128xf32>
    %add3A = arith.addf %get3A_1, %get3A_4 : vector<1000x128xf32>
    %get3A_5 = arith.constant 0 : index
    %get3A_6 = arith.constant 0 : index
    %get3A_7 = vector.load %arg3[%get3A_5, %get3A_6] : memref<1000x128xf32, #tpu.memory_space<vmem>>, vector<1000x128xf32>
    %add3A_8 = arith.addf %add3A, %get3A_7 : vector<1000x128xf32>
    %get3A_9 = arith.constant 0 : index
    %get3A_10 = arith.constant 0 : index
    %get3A_11 = vector.load %arg4[%get3A_9, %get3A_10] : memref<128x128xf32, #tpu.memory_space<vmem>>, vector<128x128xf32>
    %dot_general3A = arith.constant dense<0.000000e+00> : vector<1000x128xf32>
    %dot_general3A_12 = tpu.matmul %add3A_8, %get3A_11, %dot_general3A {dimension_numbers = #tpu.dot_dimension_numbers<[1], [0], [0], [1], [0, 0, 1, 1], [], []>, transpose_lhs_hint = false} : vector<1000x128xf32>, vector<128x128xf32>, vector<1000x128xf32> -> vector<1000x128xf32>
    %get3A_13 = arith.constant 0 : index
    %get3A_14 = arith.constant 0 : index
    %get3A_15 = vector.load %arg5[%get3A_13, %get3A_14] : memref<1x128xf32, #tpu.memory_space<vmem>>, vector<1x128xf32>
    %add3A_16 = vector.broadcast %get3A_15 : vector<1x128xf32> to vector<1000x128xf32>
    %add3A_17 = arith.addf %dot_general3A_12, %add3A_16 : vector<1000x128xf32>
    %max3A = arith.constant 0.000000e+00 : f32
    %max3A_18 = vector.broadcast %max3A : f32 to vector<1000x128xf32>
    %max3A_19 = arith.maximumf %add3A_17, %max3A_18 : vector<1000x128xf32>
    %get3A_20 = arith.constant 0 : index
    %get3A_21 = arith.constant 0 : index
    %get3A_22 = vector.load %arg6[%get3A_20, %get3A_21] : memref<128x128xf32, #tpu.memory_space<vmem>>, vector<128x128xf32>
    %dot_general3A_23 = arith.constant dense<0.000000e+00> : vector<1000x128xf32>
    %dot_general3A_24 = tpu.matmul %max3A_19, %get3A_22, %dot_general3A_23 {dimension_numbers = #tpu.dot_dimension_numbers<[1], [0], [0], [1], [0, 0, 1, 1], [], []>, transpose_lhs_hint = false} : vector<1000x128xf32>, vector<128x128xf32>, vector<1000x128xf32> -> vector<1000x128xf32>
    %get3A_25 = arith.constant 0 : index
    %get3A_26 = arith.constant 0 : index
    %get3A_27 = vector.load %arg7[%get3A_25, %get3A_26] : memref<1x128xf32, #tpu.memory_space<vmem>>, vector<1x128xf32>
    %mul3A = vector.broadcast %get3A_27 : vector<1x128xf32> to vector<1000x128xf32>
    %mul3A_28 = arith.mulf %dot_general3A_24, %mul3A : vector<1000x128xf32>
    %get3A_29 = arith.constant 0 : index
    %get3A_30 = arith.constant 0 : index
    %get3A_31 = vector.load %arg8[%get3A_29, %get3A_30] : memref<1x128xf32, #tpu.memory_space<vmem>>, vector<1x128xf32>
    %add3A_32 = vector.broadcast %get3A_31 : vector<1x128xf32> to vector<1000x128xf32>
    %add3A_33 = arith.addf %mul3A_28, %add3A_32 : vector<1000x128xf32>
    %max3A_34 = arith.constant 0.000000e+00 : f32
    %max3A_35 = vector.broadcast %max3A_34 : f32 to vector<1000x128xf32>
    %max3A_36 = arith.maximumf %add3A_33, %max3A_35 : vector<1000x128xf32>
    %swap3A = arith.constant 0 : index
    %swap3A_37 = arith.constant 0 : index
    %swap3A_38 = vector.load %arg9[%swap3A, %swap3A_37] : memref<1000x128xf32, #tpu.memory_space<vmem>>, vector<1000x128xf32>
    tpu.vector_store %arg9[%swap3A, %swap3A_37], %max3A_36 {strides = array<i32>} : memref<1000x128xf32, #tpu.memory_space<vmem>>, vector<1000x128xf32>,
    return
  }
  func.func @transform_0(%arg0: i32) -> (i32, i32) {
    %c0_i32 = arith.constant 0 : i32
    %c0_i32_0 = arith.constant 0 : i32
    return %arg0, %c0_i32 : i32, i32
  }
  func.func @transform_1(%arg0: i32) -> (i32, i32) {
    %c0_i32 = arith.constant 0 : i32
    %c0_i32_0 = arith.constant 0 : i32
    return %arg0, %c0_i32 : i32, i32
  }
  func.func @transform_2(%arg0: i32) -> (i32, i32) {
    %c0_i32 = arith.constant 0 : i32
    %c0_i32_0 = arith.constant 0 : i32
    return %arg0, %c0_i32 : i32, i32
  }
  func.func @transform_3(%arg0: i32) -> (i32, i32) {
    %c0_i32 = arith.constant 0 : i32
    %c0_i32_0 = arith.constant 0 : i32
    %c0_i32_1 = arith.constant 0 : i32
    return %c0_i32, %c0_i32_0 : i32, i32
  }
  func.func @transform_4(%arg0: i32) -> (i32, i32) {
    %c0_i32 = arith.constant 0 : i32
    %c0_i32_0 = arith.constant 0 : i32
    %c0_i32_1 = arith.constant 0 : i32
    return %c0_i32, %c0_i32_0 : i32, i32
  }
  func.func @transform_5(%arg0: i32) -> (i32, i32) {
    %c0_i32 = arith.constant 0 : i32
    %c0_i32_0 = arith.constant 0 : i32
    %c0_i32_1 = arith.constant 0 : i32
    return %c0_i32, %c0_i32_0 : i32, i32
  }
  func.func @transform_6(%arg0: i32) -> (i32, i32) {
    %c0_i32 = arith.constant 0 : i32
    %c0_i32_0 = arith.constant 0 : i32
    %c0_i32_1 = arith.constant 0 : i32
    return %c0_i32, %c0_i32_0 : i32, i32
  }
  func.func @transform_7(%arg0: i32) -> (i32, i32) {
    %c0_i32 = arith.constant 0 : i32
    %c0_i32_0 = arith.constant 0 : i32
    %c0_i32_1 = arith.constant 0 : i32
    return %c0_i32, %c0_i32_0 : i32, i32
  }
  func.func @transform_8(%arg0: i32) -> (i32, i32) {
    %c0_i32 = arith.constant 0 : i32
    %c0_i32_0 = arith.constant 0 : i32
    return %arg0, %c0_i32 : i32, i32
  }
}

module attributes {stable_mosaic.version = 14 : i64} {
  func.func @_pool_body(%arg0: memref<10000x128xf32, #tpu.memory_space<vmem>>, %arg1: memref<1x10000xi32, #tpu.memory_space<vmem>>, %arg2: memref<128x10xf32, #tpu.memory_space<vmem>>, %arg3: memref<1x10xf32, #tpu.memory_space<vmem>>, %arg4: memref<64x10xf32, #tpu.memory_space<vmem>>) attributes {dimension_semantics = [], scalar_prefetch = 0 : i64, scratch_operands = 0 : i64, tpu.core_type = #tpu.core_type<tc>} {
    %get3A = arith.constant 0 : index
    %get3A_0 = arith.constant 0 : index
    %get3A_1 = vector.load %arg1[%get3A, %get3A_0] : memref<1x10000xi32, #tpu.memory_space<vmem>>, vector<1x10000xi32>
    %iota3A = tpu.iota {dimensions = array<i32: 0>} : vector<64x10000xi32>
    %eq3A = vector.broadcast %get3A_1 : vector<1x10000xi32> to vector<64x10000xi32>
    %eq3A_2 = arith.cmpi eq, %eq3A, %iota3A : vector<64x10000xi32>
    %convert_element_type3A = arith.extui %eq3A_2 : vector<64x10000xi1> to vector<64x10000xi32>
    %convert_element_type3A_3 = arith.sitofp %convert_element_type3A : vector<64x10000xi32> to vector<64x10000xf32>
    %get3A_4 = arith.constant 0 : index
    %get3A_5 = arith.constant 0 : index
    %get3A_6 = vector.load %arg0[%get3A_4, %get3A_5] : memref<10000x128xf32, #tpu.memory_space<vmem>>, vector<10000x128xf32>
    %dot_general3A = arith.constant dense<0.000000e+00> : vector<64x128xf32>
    %dot_general3A_7 = tpu.matmul %convert_element_type3A_3, %get3A_6, %dot_general3A {dimension_numbers = #tpu.dot_dimension_numbers<[1], [0], [0], [1], [0, 0, 1, 1], [], []>, transpose_lhs_hint = false} : vector<64x10000xf32>, vector<10000x128xf32>, vector<64x128xf32> -> vector<64x128xf32>
    %reduce_sum3A = arith.constant dense<0.000000e+00> : vector<64xf32>
    %reduce_sum3A_8 = vector.multi_reduction <add>, %convert_element_type3A_3, %reduce_sum3A [1] : vector<64x10000xf32> to vector<64xf32>
    %broadcast_in_dim3A = vector.shape_cast %reduce_sum3A_8 : vector<64xf32> to vector<64x1xf32>
    %max3A = arith.constant 1.000000e+00 : f32
    %max3A_9 = vector.broadcast %max3A : f32 to vector<64x1xf32>
    %max3A_10 = arith.maximumf %broadcast_in_dim3A, %max3A_9 : vector<64x1xf32>
    %div3A = vector.broadcast %max3A_10 : vector<64x1xf32> to vector<64x128xf32>
    %div3A_11 = arith.divf %dot_general3A_7, %div3A : vector<64x128xf32>
    %get3A_12 = arith.constant 0 : index
    %get3A_13 = arith.constant 0 : index
    %get3A_14 = vector.load %arg2[%get3A_12, %get3A_13] : memref<128x10xf32, #tpu.memory_space<vmem>>, vector<128x10xf32>
    %dot_general3A_15 = arith.constant dense<0.000000e+00> : vector<64x10xf32>
    %dot_general3A_16 = tpu.matmul %div3A_11, %get3A_14, %dot_general3A_15 {dimension_numbers = #tpu.dot_dimension_numbers<[1], [0], [0], [1], [0, 0, 1, 1], [], []>, transpose_lhs_hint = false} : vector<64x128xf32>, vector<128x10xf32>, vector<64x10xf32> -> vector<64x10xf32>
    %get3A_17 = arith.constant 0 : index
    %get3A_18 = arith.constant 0 : index
    %get3A_19 = vector.load %arg3[%get3A_17, %get3A_18] : memref<1x10xf32, #tpu.memory_space<vmem>>, vector<1x10xf32>
    %add3A = vector.broadcast %get3A_19 : vector<1x10xf32> to vector<64x10xf32>
    %add3A_20 = arith.addf %dot_general3A_16, %add3A : vector<64x10xf32>
    %reduce_max3A = arith.constant dense<0xFF800000> : vector<64xf32>
    %reduce_max3A_21 = vector.multi_reduction <maximumf>, %add3A_20, %reduce_max3A [1] : vector<64x10xf32> to vector<64xf32>
    %broadcast_in_dim3A_22 = vector.shape_cast %reduce_max3A_21 : vector<64xf32> to vector<64x1xf32>
    %sub3A = vector.broadcast %broadcast_in_dim3A_22 : vector<64x1xf32> to vector<64x10xf32>
    %sub3A_23 = arith.subf %add3A_20, %sub3A : vector<64x10xf32>
    %exp3A = math.exp %sub3A_23 : vector<64x10xf32>
    %reduce_sum3A_24 = arith.constant dense<0.000000e+00> : vector<64xf32>
    %reduce_sum3A_25 = vector.multi_reduction <add>, %exp3A, %reduce_sum3A_24 [1] : vector<64x10xf32> to vector<64xf32>
    %broadcast_in_dim3A_26 = vector.shape_cast %reduce_sum3A_25 : vector<64xf32> to vector<64x1xf32>
    %log3A = math.log %broadcast_in_dim3A_26 : vector<64x1xf32>
    %sub3A_27 = vector.broadcast %broadcast_in_dim3A_22 : vector<64x1xf32> to vector<64x10xf32>
    %sub3A_28 = arith.subf %add3A_20, %sub3A_27 : vector<64x10xf32>
    %sub3A_29 = vector.broadcast %log3A : vector<64x1xf32> to vector<64x10xf32>
    %sub3A_30 = arith.subf %sub3A_28, %sub3A_29 : vector<64x10xf32>
    %swap3A = arith.constant 0 : index
    %swap3A_31 = arith.constant 0 : index
    %swap3A_32 = vector.load %arg4[%swap3A, %swap3A_31] : memref<64x10xf32, #tpu.memory_space<vmem>>, vector<64x10xf32>
    tpu.vector_store %arg4[%swap3A, %swap3A_31], %sub3A_30 {strides = array<i32>} : memref<64x10xf32, #tpu.memory_space<vmem>>, vector<64x10xf32>,
    return
  }
}

</mosaic_0001>

<sc_bundles>
// kernel: _forward.12.cloned.1.call-start
scs
__scs_entry_jumppad:
0x0: {  	(pc) =	sbr.rel $0x88, $3  }
0x1: {  	(tag) =	ssettag $0x0;
	lr =	simm.s32 $0x1  }
0x2: {  	[smem:$0x3F84] =	sst lr;
	_ =	strace $0xD0000000  }
0x3: {  	_ = 	snop  }
0x4: {  	_ = 	snop  }
0x5: {  	_ = 	snop  }
0x6: {  	_ = 	snop  }
0x7: {  	_ = 	snop  }
__scs_overlays_trampoline_lowered:
0x8: {  	[smem:$0x3F93] =	sst s0  }
0x9: {  	[smem:$0x3F94] =	sst s1  }
0xa: {  	[smem:$0x3F95] =	sst s2  }
0xb: {  	[smem:$0x3F96] =	sst s3  }
0xc: {  	[smem:$0x3F97] =	sst s4  }
0xd: {  	[smem:$0x3F98] =	sst s5  }
0xe: {  	[smem:$0x3F99] =	sst s6  }
0xf: {  	[smem:$0x3F9A] =	sst s7  }
0x10: {  	[smem:$0x3F9B] =	sst s8  }
0x11: {  	[smem:$0x3F9C] =	sst s9;
	s0 =	simm.s32 @!p0 $0x0  }
0x12: {  	s1 =	sld [smem:$0x3F82];
	s0 =	simm.s32 @p0 $0x1  }
0x13: {  	[smem:$0x3F9D] =	sst s0;
	s0 =	simm.s32 @!p1 $0x0  }
0x14: {  	s2 =	sld [smem:$0x3F81];
	s0 =	simm.s32 @p1 $0x1  }
0x15: {  	[smem:$0x3F9E] =	sst s0;
	s0 =	simm.s32 @!p2 $0x0  }
0x16: {  	s3 =	sld [smem:$0x3FDB];
	s0 =	simm.s32 @p2 $0x1  }
0x17: {  	s4 =	simm.s32 $0x1BF5;
	[smem:$0x3FA0] =	sst s0  }
0x18: {  	s0 =	sld [smem:$0x3F83];
	_ =	swait.ge [sflag:s4], $0x0  }
0x19: {  	s7 =	sld [smem:$0x3F84]  }
0x1a: {  	s8 =	sadd.s32 $0xFFFFE003, lr  }
0x1b: {  	s9 =	sadd.s32 $0xFFFFFEF7, lr;
	s5 =	simm.s32 $0xFFFFFFFF;
	p2 =	slt.u32 s8, $0xFFFFF086  }
0x1c: {  	p1 =	slt.u32 s9, $0xF7A;
	s5 =	simm.s32 @!p2 $0x0  }
0x1d: {  	s5 =	simm.s32 @p1 $0x1;
	p0 =	seq.s32 s7, s2  }
0x1e: {  	s7 =	smul.u32 @!p0 $0xF7A, s2;
	p2 =	seq.s32 @!p0 s5, $0x0  }
0x1f: {  	s9 =	smul.u32 $0xF7A, s1;
	s8 =	simm.s32 @!p0 $0x1BF5;
	p2 =	por !p2, p0  }
0x20: {  	[sflag:s8] =	ssyncset.s32 @!p0 $0xFFFFF086;
	s6 =	sadd.s32 @!p0 s3, s7;
	s7 =	simm.s32 @!p0 $0x108  }
0x21: {  	s3 =	sadd.s32 s3, s9;
	s6 =	sadd.s32 @!p0 $0x88, s6;
	s7 =	simm.s32 @p2 $0x1082  }
0x22: {  	[simem:s7], [sflag:s8] =	dma.local @!p0 [hbm:s6], $0xF7A  }
0x23: {  	s9 =	sor.u32 $0xD0000000, s2;
	s6 =	simm.s32 $0x108;
	_ =	swait.ge @!p0 [sflag:s8], $0x0  }
0x24: {  	s3 =	sadd.s32 $0x88, s3;
	s6 =	simm.s32 @!p1 $0x1082;
	[sflag:s4] =	ssyncset.s32 $0xFFFFF086  }
0x25: {  	[simem:s6], [sflag:s4] =	dma.local [hbm:s3], $0xF7A  }
0x26: {  	[smem:$0x3F84] =	sst s1;
	(tag) =	ssettag s2;
	_ =	strace s9  }
0x27: {  	s1 =	sld [smem:$0x3F94]  }
0x28: {  	s2 =	sld [smem:$0x3F95]  }
0x29: {  	s4 =	sld [smem:$0x3F97]  }
0x2a: {  	p0 =	seq.s32 s5, $0x0;
	s5 =	sld [smem:$0x3F98]  }
0x2b: {  	s6 =	sld [smem:$0x3F99]  }
0x2c: {  	s7 =	sld [smem:$0x3F9A]  }
0x2d: {  	s3 =	simm.s32 $0x108;
	s8 =	sld [smem:$0x3F9B]  }
0x2e: {  	s3 =	simm.s32 @!p0 $0x1082;
	s9 =	sld [smem:$0x3F9C]  }
0x2f: {  	lr =	sadd.s32 s0, s3;
	s0 =	sld [smem:$0x3F93]  }
0x30: {  	s3 =	sld [smem:$0x3F96]  }
0x31: {  	[smem:$0x3F9F] =	sst s10  }
0x32: {  	s10 =	sld [smem:$0x3F9D];
	_ =	sdelay $0x3  }
0x33: {  	p0 =	seq.s32 s10, $0x1;
	s10 =	sld [smem:$0x3F9F];
	_ =	sdelay $0x3  }
0x34: {  	[smem:$0x3F9F] =	sst s10  }
0x35: {  	s10 =	sld [smem:$0x3F9E];
	_ =	sdelay $0x3  }
0x36: {  	p1 =	seq.s32 s10, $0x1;
	s10 =	sld [smem:$0x3F9F];
	_ =	sdelay $0x3  }
0x37: {  	[smem:$0x3F9F] =	sst s10  }
0x38: {  	s10 =	sld [smem:$0x3FA0]  }
0x39: {  	_ = 	snop;
	(pc) =	sbr.ind lr, $3  }
0x3a: {  	_ = 	snop  }
0x3b: {  	_ = 	snop  }
0x3c: {  	p2 =	seq.s32 s10, $0x1;
	s10 =	sld [smem:$0x3F9F]  }
0x3d: {  	_ =	shalt  }
0x3e: {  	_ =	shalt  }
0x3f: {  	_ =	shalt  }
0x40: {  	_ =	shalt  }
0x41: {  	_ =	shalt  }
0x42: {  	_ =	shalt  }
0x43: {  	_ =	shalt  }
0x44: {  	_ =	shalt  }
0x45: {  	_ =	shalt  }
0x46: {  	_ =	shalt  }
0x47: {  	_ =	shalt  }
0x48: {  	_ =	shalt  }
0x49: {  	_ =	shalt  }
0x4a: {  	_ =	shalt  }
0x4b: {  	_ =	shalt  }
0x4c: {  	_ =	shalt  }
0x4d: {  	_ =	shalt  }
0x4e: {  	_ =	shalt  }
0x4f: {  	_ =	shalt  }
0x50: {  	_ =	shalt  }
0x51: {  	_ =	shalt  }
0x52: {  	_ =	shalt  }
0x53: {  	_ =	shalt  }
0x54: {  	_ =	shalt  }
0x55: {  	_ =	shalt  }
0x56: {  	_ =	shalt  }
0x57: {  	_ =	shalt  }
0x58: {  	_ =	shalt  }
0x59: {  	_ =	shalt  }
0x5a: {  	_ =	shalt  }
0x5b: {  	_ =	shalt  }
0x5c: {  	_ =	shalt  }
0x5d: {  	_ =	shalt  }
0x5e: {  	_ =	shalt  }
0x5f: {  	_ =	shalt  }
0x60: {  	_ =	shalt  }
0x61: {  	_ =	shalt  }
0x62: {  	_ =	shalt  }
0x63: {  	_ =	shalt  }
0x64: {  	_ =	shalt  }
0x65: {  	_ =	shalt  }
0x66: {  	_ =	shalt  }
0x67: {  	_ =	shalt  }
0x68: {  	_ =	shalt  }
0x69: {  	_ =	shalt  }
0x6a: {  	_ =	shalt  }
0x6b: {  	_ =	shalt  }
0x6c: {  	_ =	shalt  }
0x6d: {  	_ =	shalt  }
0x6e: {  	_ =	shalt  }
0x6f: {  	_ =	shalt  }
0x70: {  	_ =	shalt  }
0x71: {  	_ =	shalt  }
0x72: {  	_ =	shalt  }
0x73: {  	_ =	shalt  }
0x74: {  	_ =	shalt  }
0x75: {  	_ =	shalt  }
0x76: {  	_ =	shalt  }
0x77: {  	_ =	shalt  }
0x78: {  	_ =	shalt  }
0x79: {  	_ =	shalt  }
0x7a: {  	_ =	shalt  }
0x7b: {  	_ =	shalt  }
0x7c: {  	_ =	shalt  }
0x7d: {  	_ =	shalt  }
0x7e: {  	_ =	shalt  }
0x7f: {  	_ =	shalt  }
0x80: {  	_ =	shalt  }
0x81: {  	_ =	shalt  }
0x82: {  	_ =	shalt  }
0x83: {  	_ =	shalt  }
0x84: {  	_ =	shalt  }
0x85: {  	_ =	shalt  }
0x86: {  	_ =	shalt  }
0x87: {  	_ =	shalt  }
.Lfunc_end0:
.L_simem_size_0:
called_computation.1_lowered:
.L_overlay_start_0:
0x88: {  	s2 =	sld [smem:$0x3FD9]  }
0x89: {  	s3 =	sld [smem:$0x3FFE];
	_ =	sdelay $0x1  }
0x8a: {  	s1 =	srdreg.scid  }
0x8b: {  	s0 =	sand.u32 $0x1, s1  }
0x8c: {  	s16 =	sshll.u32 s0, $0xA;
	s2 =	sadd.s32 s3, s2  }
0x8d: {  	s2 =	sadd.s32 s2, s16  }
0x8e: {  	[smem:$0x3FAB] =	sst s2  }
0x8f: {  	_ = 	snop  }
0x90: {  	(tm) =	ssettm $0x1  }
0x91: {  	s17 =	sld [smem:$0x3FFB];
	_ =	sdelay $0x3  }
0x92: {  	_ =	strace s17  }
0x93: {  	s2 =	sld [smem:$0x3FFC];
	_ =	sdelay $0x3  }
0x94: {  	_ =	strace s2  }
0x95: {  	s2 =	sld [smem:$0x3FFD];
	_ =	sdelay $0x3  }
0x96: {  	_ =	strace s2  }
0x97: {  	_ =	strace $0x8FFFFFFF  }
0x98: {  	s18 =	sld [smem:$0x3FDB];
	_ =	sdelay $0x1  }
0x99: {  	s19 =	simm.s32 $_scs_section_size  }
0x9a: {  	s4 =	simm.s32 $_size__tile_overlayer_lowered;
	s5 =	simm.s32 $_tile_overlayer_lowered  }
0x9b: {  	s22 =	simm.s32 $0x1BFF;
	s21 =	sshll.u32 s5, $0x1;
	s2 =	sadd.s32 s19, s18  }
0x9c: {  	s6 =	simm.s32 $0x0;
	s20 =	sshll.u32 s4, $0x1;
	s4 =	sadd.s32 s21, s2  }
0x9d: {  	[timem:s6], [sflag:s22] =	dma.local [hbm:s4], s20  }
0x9e: {  	_ =	swait.ge [sflag:s22], s20  }
0x9f: {  	s3 =	ssub.s32 $0x0, s20;
	[sflag:s22] =	ssyncset.done $0x0  }
0xa0: {  	[sflag:s22] =	ssyncadd.s32 s3;
	_ =	sdelay $0x1  }
0xa1: {  	s23 =	simm.s32 $0x1B8B  }
0xa2: {  	_ =	swait.ge [sflag:s23], $0x1  }
0xa3: {  	[sflag:s23] =	ssyncset.done $0x0  }
0xa4: {  	s25 =	simm.s32 $0x1B8E;
	s24 =	sld [smem:$0x3FFE];
	[sflag:s23] =	ssyncadd.s32 $0xFFFFFFFF  }
0xa5: {  	s26 =	simm.s32 $execute0_lowered;
	[smem:$0x3FD2] =	sst s25  }
0xa6: {  	s4 =	sshll.u32 s26, $0x1;
	_ =	strace $0x80000049;
	[dreg:$0x1] =	wrdreg $0xFFFFFFFF  }
0xa7: {  	s28 =	simm.s32 $_size_execute0_lowered;
	s2 =	sadd.s32 s2, s4;
	[dreg:$0x0] =	wrdreg $0x0  }
0xa8: {  	s4 =	sshll.u32 s28, $0x1;
	[dreg:$0x2] =	wrdreg s2  }
0xa9: {  	[dreg:$0x3] =	wrdreg s4  }
0xaa: {  	[dreg:$0x4] =	wrdreg $0xC0  }
0xab: {  	_ =	task [dreg:s6], $0x5FFFF  }
0xac: {  	[dreg:$0x1] =	wrdreg $0xFFFFFFFF  }
0xad: {  	[dreg:$0x0] =	wrdreg $0x60  }
0xae: {  	[dreg:$0x2] =	wrdreg s24  }
0xaf: {  	[dreg:$0x3] =	wrdreg $0xA8000  }
0xb0: {  	[dreg:$0x4] =	wrdreg $0x9  }
0xb1: {  	_ =	task.clear_ibuf [dreg:s6], $0x5FFFF;
	_ =	strace $0x90000049  }
0xb2: {  	s29 =	simm.s32 $0x9;
	_ =	strace $0x8000004B  }
0xb3: {  	_ =	swait.ge [sflag:s29], $0x1  }
0xb4: {  	[sflag:s29] =	ssyncadd.s32 $0xFFFFFFFF  }
0xb5: {  	_ =	strace $0x9000004B  }
0xb6: {  	_ =	sfence  }
0xb7: {  	s30 =	sld [smem:$0x0];
	_ =	sdelay $0x2  }
0xb8: {  	s31 =	sshll.u32 s1, $0xD;
	s1 =	sshrl.u32 s1, $0x2  }
0xb9: {  	s3 =	sand.u32 $0x4000, s31;
	s1 =	sadd.s32 s1, s30  }
0xba: {  	s0 =	sor.u32 s3, s0;
	s1 =	sshll.u32 s1, $0x11  }
0xbb: {  	s0 =	sor.u32 s1, s0  }
0xbc: {  	s0 =	sadd.s32 $0x8F2B, s0  }
0xbd: {  	[sflag:s0] =	ssyncadd.remote.s32 $0x1  }
0xbe: {  	_ =	sfence.sel $0xFFFF  }
0xbf: {  	[dreg:$0x0] =	wrdreg $0xFFFFFFFF;
	(pc) =	sbr.abs _section_cstart, $3  }
0xc0: {  	[dreg:$0x1] =	wrdreg $0xFFFFFFFF  }
0xc1: {  	_ =	task.clear_ibuf [dreg:s6], $0x2FFFF;
	_ =	strace $0x9FFFFFFF  }
0xc2: {  	(tm) =	ssettm $0x7FFFFFFF  }
0xc3: {  	_ =	shalt  }
tec
execute0_lowered:
.L_overlay_start_1:
0x0: {  	(tag) =	ssettag $0x1  }
0x1: {  	s6 =	rddreg [dreg:$0x0]  }
0x2: {  	s1 =	rddreg [dreg:$0x1]  }
0x3: {  	s0 =	rddreg [dreg:$0x2];
	s3 =	simm.s32 $0x0;
	s4 =	srdreg.scid  }
0x4: {  	s2 =	stileid.u32;
	s13 =	simm.s32 $0x50;
	s14 =	simm.s32 $0x8000  }
0x5: {  	s15 =	simm.s32 $0x1;
	[smem:$0x7FF] =	sst s3;
	s5 =	sand.u32 $0x1, s4  }
0x6: {  	s8 =	sshll.u32 s2, $0xB;
	s4 =	sadd.s32 $0x28A00, s6;
	s10 =	smul.u32 $0x50000, s2  }
0x7: {  	s17 =	smul.u32 $0x2800, s2;
	s11 =	sshll.u32 s2, $0x6;
	_ =	strace $0x8000004A  }
0x8: {  	s7 =	sshll.u32 s5, $0xF;
	s30 =	smul.u32 $0x28000, s5;
	s9 =	ssub.s32 $0x2, s5  }
0x9: {  	s5 =	sadd.s32 $0x26200, s6;
	s11 =	sor.u32 $0x1C02, s11;
	s7 =	sor.u32 s8, s7  }
0xa: {  	s31 =	sshrl.u32 s9, $0x1;
	s10 =	sshrl.u32 s10, $0x2;
	s7 =	sadd.s32 s7, s6  }
0xb: {  	s8 =	sadd.s32 s30, s6;
	s9 =	ssub.s32 s9, s31;
	s12 =	sadd.s32 s10, s1  }
0xc: {  	s10 =	simm.s32 $0x4000;
	s6 =	sadd.s32 $0x6200, s7;
	s7 =	sadd.s32 $0x16200, s7  }
0xd: {  	s16 =	sadd.s32 $0x4FC00, s8;
	s8 =	smax.u32 s9, $0x1;
	s9 =	simm.s32 $0x2  }
0xe: {  	s12 =	sshrl.u32 s12, $0x3;
	s16 =	sadd.s32 s17, s16;
	s17 =	simm.s32 $0x0  }
.LBB2_1:
0xf: {  	[tilespmem:s3], [sflag:$0x2] =	stream.linear.gather [hbm4b:s6+s3], $0x3E80, $0x38;
	[tilespmem:$0x1E800] =	vst v63  }
0x10: {  	_ =	swait.ge [sflag:s9], $0x3E80  }
0x11: {  	[sflag:s9] =	ssyncset.done $0x0  }
0x12: {  	[sflag:s9] =	ssyncadd.s32 $0xFFFFC180  }
0x13: {  	[tilespmem:s10], [sflag:$0x2] =	stream.linear.gather [hbm4b:s7+s3], $0x3E80, $0x38;
	[tilespmem:$0x1E800] =	vst v63  }
0x14: {  	_ =	swait.ge [sflag:s9], $0x3E80  }
0x15: {  	[sflag:s9] =	ssyncset.done $0x0  }
0x16: {  	[sflag:s9] =	ssyncadd.s32 $0xFFFFC180  }
0x17: {  	[spmem:s12], [sflag:s11] =	dma.local [hbm:s5], $0x2800  }
0x18: {  	_ =	swait.ge [sflag:s9], $0x2800  }
0x19: {  	[sflag:s9] =	ssyncset.done $0x0  }
0x1a: {  	[sflag:s9] =	ssyncadd.s32 $0xFFFFD800  }
0x1b: {  	s18 =	simm.s32 $0x0;
	[bflag:$0x0] =	sbarrier.arrive $0xFFFF  }
0x1c: {  	[tilespmem:s14], [sflag:$0x1] =	stream.indirect.gather [hbm4b:s4+s13], $0x80, s18, s13, $0xb8;
	[tilespmem:$0x1E800] =	vst v63  }
0x1d: {  	_ =	swait.ge [sflag:s15], $0x2800  }
0x1e: {  	[sflag:s15] =	ssyncset.done $0x0  }
0x1f: {  	s31 =	simm.s32 $0x4000;
	[sflag:s15] =	ssyncadd.s32 $0xFFFFD800  }
0x20: {  	[spmem:s1] =	stream.indirect.scatter.add.f32 [tilespmem:s14], [sflag:$0x2], $0x80, s31, s13, $0xb8;
	[tilespmem:$0x1E800] =	vst v63  }
0x21: {  	_ =	swait.ge [sflag:s9], $0x2800  }
0x22: {  	s19 =	simm.s32 $0x400;
	s18 =	simm.s32 $0x200;
	[sflag:s9] =	ssyncset.done $0x0  }
.LBB2_2:
0x23: {  	s20 =	sshra.s32 s18, $0x2  }
0x24: {  	[sflag:s9] =	ssyncadd.s32 $0xFFFFD800;
	s18 =	smov.u32 s19;
	s21 =	sadd.s32 $0x200, s19  }
0x25: {  	[tilespmem:s14], [sflag:$0x1] =	stream.indirect.gather [hbm4b:s4+s13], $0x80, s20, s13, $0xb8;
	[tilespmem:$0x1E800] =	vst v63  }
0x26: {  	p0 =	sne.s32 s19, $0xF800;
	_ =	swait.ge [sflag:s15], $0x2800  }
.Ltmp0:
0x27: {  	[sflag:s15] =	ssyncset.done $0x0;
	(pc) =	sbr.rel @p0 .LBB2_2-.Ltmp0, $4  }
0x28: {  	s19 =	sadd.s32 $0x4000, s20;
	[sflag:s15] =	ssyncadd.s32 $0xFFFFD800  }
0x29: {  	[spmem:s1] =	stream.indirect.scatter.add.f32 [tilespmem:s14], [sflag:$0x2], $0x80, s19, s13, $0xb8;
	[tilespmem:$0x1E800] =	vst v63  }
0x2a: {  	_ =	swait.ge [sflag:s9], $0x2800  }
0x2b: {  	s19 =	smov.u32 s21;
	[sflag:s9] =	ssyncset.done $0x0  }
0x2c: {  	s18 =	sshra.s32 s18, $0x2;
	[sflag:s9] =	ssyncadd.s32 $0xFFFFD800  }
0x2d: {  	[tilespmem:s14], [sflag:$0x1] =	stream.indirect.gather [hbm4b:s4+s13], $0x80, s18, s13, $0xb8;
	[tilespmem:$0x1E800] =	vst v63  }
0x2e: {  	_ =	swait.ge [sflag:s15], $0x2800  }
0x2f: {  	[sflag:s15] =	ssyncset.done $0x0  }
0x30: {  	s18 =	sadd.s32 $0x4000, s18;
	[sflag:s15] =	ssyncadd.s32 $0xFFFFD800  }
0x31: {  	[spmem:s1] =	stream.indirect.scatter.add.f32 [tilespmem:s14], [sflag:$0x2], $0x80, s18, s13, $0xb8;
	[tilespmem:$0x1E800] =	vst v63  }
0x32: {  	_ =	swait.ge [sflag:s9], $0x2800  }
0x33: {  	s17 =	sadd.s32 $0x1, s17;
	[sflag:s9] =	ssyncset.done $0x0  }
0x34: {  	p0 =	sne.s32 s17, s8;
	[sflag:s9] =	ssyncadd.s32 $0xFFFFD800  }
.Ltmp1:
0x35: {  	[bflag:$0x0] =	sbarrier.arrive $0xFFFF;
	(pc) =	sbr.rel @p0 .LBB2_1-.Ltmp1, $4  }
0x36: {  	[hbm:s16], [sflag:s11] =	dma.local [spmem:s12], $0x2800  }
0x37: {  	_ =	swait.ge [sflag:s9], $0x2800  }
0x38: {  	[sflag:s9] =	ssyncset.done $0x0  }
0x39: {  	[sflag:s9] =	ssyncadd.s32 $0xFFFFD800  }
0x3a: {  	_ =	sfence.sel $0x180000  }
0x3b: {  	[bflag:$0x0] =	sbarrier.arrive $0xFFFF  }
0x3c: {  	p0 =	sne.s32 s2, $0x0;
	_ =	strace $0x9000004A  }
0x3d: {  	s0 =	sadd.s32 @!p0 $0x100000, s0;
	[bflag:$0x2] =	sbarrier.arrive $0xFFFF  }
0x3e: {  	[sflag:s0] =	ssyncadd.tile.s32 @!p0 $0x1;
	_ =	shalt  }
.Lfunc_end2:
_tile_overlayer_lowered:
.L_overlay_start_2:
0x3f: {  	(tag) =	ssettag $0x2  }
0x40: {  	s0 =	rddreg [dreg:$0x0];
	s2 =	stileid.u32  }
0x41: {  	s1 =	rddreg [dreg:$0x1];
	p0 =	sne.s32 s2, $0x0  }
0x42: {  	s3 =	rddreg [dreg:$0x2];
	[bflag:$0x3] =	sbarrier.arrive $0xFFFF;
	s2 =	simm.s32 @!p0 $0x1C02  }
0x43: {  	[timem:s3], [sflag:s2] =	dma.local @!p0 [hbm:s0], s1  }
0x44: {  	s0 =	simm.s32 @!p0 $0x2  }
0x45: {  	_ =	swait.ge @!p0 [sflag:s0], s1  }
0x46: {  	s1 =	ssub.s32 @!p0 $0x0, s1;
	[sflag:s0] =	ssyncset.done @!p0 $0x0  }
0x47: {  	[sflag:s0] =	ssyncadd.s32 @!p0 s1  }
0x48: {  	[bflag:$0x3] =	sbarrier.arrive $0xFFFF  }
0x49: {  	_ =	shalt  }

// kernel: _forward.15.cloned.1.call-start
scs
__scs_entry_jumppad:
0x0: {  	(pc) =	sbr.rel $0x88, $3  }
0x1: {  	(tag) =	ssettag $0x0;
	lr =	simm.s32 $0x1  }
0x2: {  	[smem:$0x3F84] =	sst lr;
	_ =	strace $0xD0000000  }
0x3: {  	_ = 	snop  }
0x4: {  	_ = 	snop  }
0x5: {  	_ = 	snop  }
0x6: {  	_ = 	snop  }
0x7: {  	_ = 	snop  }
__scs_overlays_trampoline_lowered:
0x8: {  	[smem:$0x3F93] =	sst s0  }
0x9: {  	[smem:$0x3F94] =	sst s1  }
0xa: {  	[smem:$0x3F95] =	sst s2  }
0xb: {  	[smem:$0x3F96] =	sst s3  }
0xc: {  	[smem:$0x3F97] =	sst s4  }
0xd: {  	[smem:$0x3F98] =	sst s5  }
0xe: {  	[smem:$0x3F99] =	sst s6  }
0xf: {  	[smem:$0x3F9A] =	sst s7  }
0x10: {  	[smem:$0x3F9B] =	sst s8  }
0x11: {  	[smem:$0x3F9C] =	sst s9;
	s0 =	simm.s32 @!p0 $0x0  }
0x12: {  	s1 =	sld [smem:$0x3F82];
	s0 =	simm.s32 @p0 $0x1  }
0x13: {  	[smem:$0x3F9D] =	sst s0;
	s0 =	simm.s32 @!p1 $0x0  }
0x14: {  	s2 =	sld [smem:$0x3F81];
	s0 =	simm.s32 @p1 $0x1  }
0x15: {  	[smem:$0x3F9E] =	sst s0;
	s0 =	simm.s32 @!p2 $0x0  }
0x16: {  	s3 =	sld [smem:$0x3FDB];
	s0 =	simm.s32 @p2 $0x1  }
0x17: {  	s4 =	simm.s32 $0x1BF5;
	[smem:$0x3FA0] =	sst s0  }
0x18: {  	s0 =	sld [smem:$0x3F83];
	_ =	swait.ge [sflag:s4], $0x0  }
0x19: {  	s7 =	sld [smem:$0x3F84]  }
0x1a: {  	s8 =	sadd.s32 $0xFFFFE003, lr  }
0x1b: {  	s9 =	sadd.s32 $0xFFFFFEF7, lr;
	s5 =	simm.s32 $0xFFFFFFFF;
	p2 =	slt.u32 s8, $0xFFFFF086  }
0x1c: {  	p1 =	slt.u32 s9, $0xF7A;
	s5 =	simm.s32 @!p2 $0x0  }
0x1d: {  	s5 =	simm.s32 @p1 $0x1;
	p0 =	seq.s32 s7, s2  }
0x1e: {  	s7 =	smul.u32 @!p0 $0xF7A, s2;
	p2 =	seq.s32 @!p0 s5, $0x0  }
0x1f: {  	s9 =	smul.u32 $0xF7A, s1;
	s8 =	simm.s32 @!p0 $0x1BF5;
	p2 =	por !p2, p0  }
0x20: {  	[sflag:s8] =	ssyncset.s32 @!p0 $0xFFFFF086;
	s6 =	sadd.s32 @!p0 s3, s7;
	s7 =	simm.s32 @!p0 $0x108  }
0x21: {  	s3 =	sadd.s32 s3, s9;
	s6 =	sadd.s32 @!p0 $0x88, s6;
	s7 =	simm.s32 @p2 $0x1082  }
0x22: {  	[simem:s7], [sflag:s8] =	dma.local @!p0 [hbm:s6], $0xF7A  }
0x23: {  	s9 =	sor.u32 $0xD0000000, s2;
	s6 =	simm.s32 $0x108;
	_ =	swait.ge @!p0 [sflag:s8], $0x0  }
0x24: {  	s3 =	sadd.s32 $0x88, s3;
	s6 =	simm.s32 @!p1 $0x1082;
	[sflag:s4] =	ssyncset.s32 $0xFFFFF086  }
0x25: {  	[simem:s6], [sflag:s4] =	dma.local [hbm:s3], $0xF7A  }
0x26: {  	[smem:$0x3F84] =	sst s1;
	(tag) =	ssettag s2;
	_ =	strace s9  }
0x27: {  	s1 =	sld [smem:$0x3F94]  }
0x28: {  	s2 =	sld [smem:$0x3F95]  }
0x29: {  	s4 =	sld [smem:$0x3F97]  }
0x2a: {  	p0 =	seq.s32 s5, $0x0;
	s5 =	sld [smem:$0x3F98]  }
0x2b: {  	s6 =	sld [smem:$0x3F99]  }
0x2c: {  	s7 =	sld [smem:$0x3F9A]  }
0x2d: {  	s3 =	simm.s32 $0x108;
	s8 =	sld [smem:$0x3F9B]  }
0x2e: {  	s3 =	simm.s32 @!p0 $0x1082;
	s9 =	sld [smem:$0x3F9C]  }
0x2f: {  	lr =	sadd.s32 s0, s3;
	s0 =	sld [smem:$0x3F93]  }
0x30: {  	s3 =	sld [smem:$0x3F96]  }
0x31: {  	[smem:$0x3F9F] =	sst s10  }
0x32: {  	s10 =	sld [smem:$0x3F9D];
	_ =	sdelay $0x3  }
0x33: {  	p0 =	seq.s32 s10, $0x1;
	s10 =	sld [smem:$0x3F9F];
	_ =	sdelay $0x3  }
0x34: {  	[smem:$0x3F9F] =	sst s10  }
0x35: {  	s10 =	sld [smem:$0x3F9E];
	_ =	sdelay $0x3  }
0x36: {  	p1 =	seq.s32 s10, $0x1;
	s10 =	sld [smem:$0x3F9F];
	_ =	sdelay $0x3  }
0x37: {  	[smem:$0x3F9F] =	sst s10  }
0x38: {  	s10 =	sld [smem:$0x3FA0]  }
0x39: {  	_ = 	snop;
	(pc) =	sbr.ind lr, $3  }
0x3a: {  	_ = 	snop  }
0x3b: {  	_ = 	snop  }
0x3c: {  	p2 =	seq.s32 s10, $0x1;
	s10 =	sld [smem:$0x3F9F]  }
0x3d: {  	_ =	shalt  }
0x3e: {  	_ =	shalt  }
0x3f: {  	_ =	shalt  }
0x40: {  	_ =	shalt  }
0x41: {  	_ =	shalt  }
0x42: {  	_ =	shalt  }
0x43: {  	_ =	shalt  }
0x44: {  	_ =	shalt  }
0x45: {  	_ =	shalt  }
0x46: {  	_ =	shalt  }
0x47: {  	_ =	shalt  }
0x48: {  	_ =	shalt  }
0x49: {  	_ =	shalt  }
0x4a: {  	_ =	shalt  }
0x4b: {  	_ =	shalt  }
0x4c: {  	_ =	shalt  }
0x4d: {  	_ =	shalt  }
0x4e: {  	_ =	shalt  }
0x4f: {  	_ =	shalt  }
0x50: {  	_ =	shalt  }
0x51: {  	_ =	shalt  }
0x52: {  	_ =	shalt  }
0x53: {  	_ =	shalt  }
0x54: {  	_ =	shalt  }
0x55: {  	_ =	shalt  }
0x56: {  	_ =	shalt  }
0x57: {  	_ =	shalt  }
0x58: {  	_ =	shalt  }
0x59: {  	_ =	shalt  }
0x5a: {  	_ =	shalt  }
0x5b: {  	_ =	shalt  }
0x5c: {  	_ =	shalt  }
0x5d: {  	_ =	shalt  }
0x5e: {  	_ =	shalt  }
0x5f: {  	_ =	shalt  }
0x60: {  	_ =	shalt  }
0x61: {  	_ =	shalt  }
0x62: {  	_ =	shalt  }
0x63: {  	_ =	shalt  }
0x64: {  	_ =	shalt  }
0x65: {  	_ =	shalt  }
0x66: {  	_ =	shalt  }
0x67: {  	_ =	shalt  }
0x68: {  	_ =	shalt  }
0x69: {  	_ =	shalt  }
0x6a: {  	_ =	shalt  }
0x6b: {  	_ =	shalt  }
0x6c: {  	_ =	shalt  }
0x6d: {  	_ =	shalt  }
0x6e: {  	_ =	shalt  }
0x6f: {  	_ =	shalt  }
0x70: {  	_ =	shalt  }
0x71: {  	_ =	shalt  }
0x72: {  	_ =	shalt  }
0x73: {  	_ =	shalt  }
0x74: {  	_ =	shalt  }
0x75: {  	_ =	shalt  }
0x76: {  	_ =	shalt  }
0x77: {  	_ =	shalt  }
0x78: {  	_ =	shalt  }
0x79: {  	_ =	shalt  }
0x7a: {  	_ =	shalt  }
0x7b: {  	_ =	shalt  }
0x7c: {  	_ =	shalt  }
0x7d: {  	_ =	shalt  }
0x7e: {  	_ =	shalt  }
0x7f: {  	_ =	shalt  }
0x80: {  	_ =	shalt  }
0x81: {  	_ =	shalt  }
0x82: {  	_ =	shalt  }
0x83: {  	_ =	shalt  }
0x84: {  	_ =	shalt  }
0x85: {  	_ =	shalt  }
0x86: {  	_ =	shalt  }
0x87: {  	_ =	shalt  }
.Lfunc_end0:
.L_simem_size_0:
called_computation.2_lowered:
.L_overlay_start_0:
0x88: {  	s2 =	sld [smem:$0x3FD9]  }
0x89: {  	s3 =	sld [smem:$0x3FFE];
	_ =	sdelay $0x1  }
0x8a: {  	s1 =	srdreg.scid  }
0x8b: {  	s0 =	sand.u32 $0x1, s1  }
0x8c: {  	s16 =	sshll.u32 s0, $0xA;
	s2 =	sadd.s32 s3, s2  }
0x8d: {  	s2 =	sadd.s32 s2, s16  }
0x8e: {  	[smem:$0x3FAB] =	sst s2  }
0x8f: {  	_ = 	snop  }
0x90: {  	(tm) =	ssettm $0x1  }
0x91: {  	s17 =	sld [smem:$0x3FFB];
	_ =	sdelay $0x3  }
0x92: {  	_ =	strace s17  }
0x93: {  	s2 =	sld [smem:$0x3FFC];
	_ =	sdelay $0x3  }
0x94: {  	_ =	strace s2  }
0x95: {  	s2 =	sld [smem:$0x3FFD];
	_ =	sdelay $0x3  }
0x96: {  	_ =	strace s2  }
0x97: {  	_ =	strace $0x8FFFFFFF  }
0x98: {  	s18 =	sld [smem:$0x3FDB];
	_ =	sdelay $0x1  }
0x99: {  	s19 =	simm.s32 $_scs_section_size  }
0x9a: {  	s4 =	simm.s32 $_size__tile_overlayer_lowered;
	s5 =	simm.s32 $_tile_overlayer_lowered  }
0x9b: {  	s22 =	simm.s32 $0x1BFF;
	s21 =	sshll.u32 s5, $0x1;
	s2 =	sadd.s32 s19, s18  }
0x9c: {  	s6 =	simm.s32 $0x0;
	s20 =	sshll.u32 s4, $0x1;
	s4 =	sadd.s32 s21, s2  }
0x9d: {  	[timem:s6], [sflag:s22] =	dma.local [hbm:s4], s20  }
0x9e: {  	_ =	swait.ge [sflag:s22], s20  }
0x9f: {  	s3 =	ssub.s32 $0x0, s20;
	[sflag:s22] =	ssyncset.done $0x0  }
0xa0: {  	[sflag:s22] =	ssyncadd.s32 s3;
	_ =	sdelay $0x1  }
0xa1: {  	s23 =	simm.s32 $0x1B8B  }
0xa2: {  	_ =	swait.ge [sflag:s23], $0x1  }
0xa3: {  	[sflag:s23] =	ssyncset.done $0x0  }
0xa4: {  	s25 =	simm.s32 $0x1B8E;
	s24 =	sld [smem:$0x3FFE];
	[sflag:s23] =	ssyncadd.s32 $0xFFFFFFFF  }
0xa5: {  	s26 =	simm.s32 $execute0_lowered;
	[smem:$0x3FD2] =	sst s25  }
0xa6: {  	s4 =	sshll.u32 s26, $0x1;
	_ =	strace $0x8000004C;
	[dreg:$0x1] =	wrdreg $0xFFFFFFFF  }
0xa7: {  	s28 =	simm.s32 $_size_execute0_lowered;
	s2 =	sadd.s32 s2, s4;
	[dreg:$0x0] =	wrdreg $0x0  }
0xa8: {  	s4 =	sshll.u32 s28, $0x1;
	[dreg:$0x2] =	wrdreg s2  }
0xa9: {  	[dreg:$0x3] =	wrdreg s4  }
0xaa: {  	[dreg:$0x4] =	wrdreg $0xC0  }
0xab: {  	_ =	task [dreg:s6], $0x5FFFF  }
0xac: {  	[dreg:$0x1] =	wrdreg $0xFFFFFFFF  }
0xad: {  	[dreg:$0x0] =	wrdreg $0x60  }
0xae: {  	[dreg:$0x2] =	wrdreg s24  }
0xaf: {  	[dreg:$0x3] =	wrdreg $0xA8000  }
0xb0: {  	[dreg:$0x4] =	wrdreg $0x9  }
0xb1: {  	_ =	task.clear_ibuf [dreg:s6], $0x5FFFF;
	_ =	strace $0x9000004C  }
0xb2: {  	s29 =	simm.s32 $0x9;
	_ =	strace $0x8000004E  }
0xb3: {  	_ =	swait.ge [sflag:s29], $0x1  }
0xb4: {  	[sflag:s29] =	ssyncadd.s32 $0xFFFFFFFF  }
0xb5: {  	_ =	strace $0x9000004E  }
0xb6: {  	_ =	sfence  }
0xb7: {  	s30 =	sld [smem:$0x0];
	_ =	sdelay $0x2  }
0xb8: {  	s31 =	sshll.u32 s1, $0xD;
	s1 =	sshrl.u32 s1, $0x2  }
0xb9: {  	s3 =	sand.u32 $0x4000, s31;
	s1 =	sadd.s32 s1, s30  }
0xba: {  	s0 =	sor.u32 s3, s0;
	s1 =	sshll.u32 s1, $0x11  }
0xbb: {  	s0 =	sor.u32 s1, s0  }
0xbc: {  	s0 =	sadd.s32 $0x8F2B, s0  }
0xbd: {  	[sflag:s0] =	ssyncadd.remote.s32 $0x1  }
0xbe: {  	_ =	sfence.sel $0xFFFF  }
0xbf: {  	[dreg:$0x0] =	wrdreg $0xFFFFFFFF;
	(pc) =	sbr.abs _section_cstart, $3  }
0xc0: {  	[dreg:$0x1] =	wrdreg $0xFFFFFFFF  }
0xc1: {  	_ =	task.clear_ibuf [dreg:s6], $0x2FFFF;
	_ =	strace $0x9FFFFFFF  }
0xc2: {  	(tm) =	ssettm $0x7FFFFFFF  }
0xc3: {  	_ =	shalt  }
tec
execute0_lowered:
.L_overlay_start_1:
0x0: {  	(tag) =	ssettag $0x1  }
0x1: {  	s6 =	rddreg [dreg:$0x0]  }
0x2: {  	s1 =	rddreg [dreg:$0x1]  }
0x3: {  	s0 =	rddreg [dreg:$0x2];
	s3 =	simm.s32 $0x0;
	s4 =	srdreg.scid  }
0x4: {  	s2 =	stileid.u32;
	s13 =	simm.s32 $0x50;
	s14 =	simm.s32 $0x8000  }
0x5: {  	s15 =	simm.s32 $0x1;
	[smem:$0x7FF] =	sst s3;
	s5 =	sand.u32 $0x1, s4  }
0x6: {  	s8 =	sshll.u32 s2, $0xB;
	s4 =	sadd.s32 $0x28A00, s6;
	s10 =	smul.u32 $0x50000, s2  }
0x7: {  	s17 =	smul.u32 $0x2800, s2;
	s11 =	sshll.u32 s2, $0x6;
	_ =	strace $0x8000004D  }
0x8: {  	s7 =	sshll.u32 s5, $0xF;
	s30 =	smul.u32 $0x28000, s5;
	s9 =	ssub.s32 $0x2, s5  }
0x9: {  	s5 =	sadd.s32 $0x26200, s6;
	s11 =	sor.u32 $0x1C02, s11;
	s7 =	sor.u32 s8, s7  }
0xa: {  	s31 =	sshrl.u32 s9, $0x1;
	s10 =	sshrl.u32 s10, $0x2;
	s7 =	sadd.s32 s7, s6  }
0xb: {  	s8 =	sadd.s32 s30, s6;
	s9 =	ssub.s32 s9, s31;
	s12 =	sadd.s32 s10, s1  }
0xc: {  	s10 =	simm.s32 $0x4000;
	s6 =	sadd.s32 $0x6200, s7;
	s7 =	sadd.s32 $0x16200, s7  }
0xd: {  	s16 =	sadd.s32 $0x4FC00, s8;
	s8 =	smax.u32 s9, $0x1;
	s9 =	simm.s32 $0x2  }
0xe: {  	s12 =	sshrl.u32 s12, $0x3;
	s16 =	sadd.s32 s17, s16;
	s17 =	simm.s32 $0x0  }
.LBB2_1:
0xf: {  	[tilespmem:s3], [sflag:$0x2] =	stream.linear.gather [hbm4b:s6+s3], $0x3E80, $0x38;
	[tilespmem:$0x1E800] =	vst v63  }
0x10: {  	_ =	swait.ge [sflag:s9], $0x3E80  }
0x11: {  	[sflag:s9] =	ssyncset.done $0x0  }
0x12: {  	[sflag:s9] =	ssyncadd.s32 $0xFFFFC180  }
0x13: {  	[tilespmem:s10], [sflag:$0x2] =	stream.linear.gather [hbm4b:s7+s3], $0x3E80, $0x38;
	[tilespmem:$0x1E800] =	vst v63  }
0x14: {  	_ =	swait.ge [sflag:s9], $0x3E80  }
0x15: {  	[sflag:s9] =	ssyncset.done $0x0  }
0x16: {  	[sflag:s9] =	ssyncadd.s32 $0xFFFFC180  }
0x17: {  	[spmem:s12], [sflag:s11] =	dma.local [hbm:s5], $0x2800  }
0x18: {  	_ =	swait.ge [sflag:s9], $0x2800  }
0x19: {  	[sflag:s9] =	ssyncset.done $0x0  }
0x1a: {  	[sflag:s9] =	ssyncadd.s32 $0xFFFFD800  }
0x1b: {  	s18 =	simm.s32 $0x0;
	[bflag:$0x0] =	sbarrier.arrive $0xFFFF  }
0x1c: {  	[tilespmem:s14], [sflag:$0x1] =	stream.indirect.gather [hbm4b:s4+s13], $0x80, s18, s13, $0xb8;
	[tilespmem:$0x1E800] =	vst v63  }
0x1d: {  	_ =	swait.ge [sflag:s15], $0x2800  }
0x1e: {  	[sflag:s15] =	ssyncset.done $0x0  }
0x1f: {  	s31 =	simm.s32 $0x4000;
	[sflag:s15] =	ssyncadd.s32 $0xFFFFD800  }
0x20: {  	[spmem:s1] =	stream.indirect.scatter.add.f32 [tilespmem:s14], [sflag:$0x2], $0x80, s31, s13, $0xb8;
	[tilespmem:$0x1E800] =	vst v63  }
0x21: {  	_ =	swait.ge [sflag:s9], $0x2800  }
0x22: {  	s19 =	simm.s32 $0x400;
	s18 =	simm.s32 $0x200;
	[sflag:s9] =	ssyncset.done $0x0  }
.LBB2_2:
0x23: {  	s20 =	sshra.s32 s18, $0x2  }
0x24: {  	[sflag:s9] =	ssyncadd.s32 $0xFFFFD800;
	s18 =	smov.u32 s19;
	s21 =	sadd.s32 $0x200, s19  }
0x25: {  	[tilespmem:s14], [sflag:$0x1] =	stream.indirect.gather [hbm4b:s4+s13], $0x80, s20, s13, $0xb8;
	[tilespmem:$0x1E800] =	vst v63  }
0x26: {  	p0 =	sne.s32 s19, $0xF800;
	_ =	swait.ge [sflag:s15], $0x2800  }
.Ltmp0:
0x27: {  	[sflag:s15] =	ssyncset.done $0x0;
	(pc) =	sbr.rel @p0 .LBB2_2-.Ltmp0, $4  }
0x28: {  	s19 =	sadd.s32 $0x4000, s20;
	[sflag:s15] =	ssyncadd.s32 $0xFFFFD800  }
0x29: {  	[spmem:s1] =	stream.indirect.scatter.add.f32 [tilespmem:s14], [sflag:$0x2], $0x80, s19, s13, $0xb8;
	[tilespmem:$0x1E800] =	vst v63  }
0x2a: {  	_ =	swait.ge [sflag:s9], $0x2800  }
0x2b: {  	s19 =	smov.u32 s21;
	[sflag:s9] =	ssyncset.done $0x0  }
0x2c: {  	s18 =	sshra.s32 s18, $0x2;
	[sflag:s9] =	ssyncadd.s32 $0xFFFFD800  }
0x2d: {  	[tilespmem:s14], [sflag:$0x1] =	stream.indirect.gather [hbm4b:s4+s13], $0x80, s18, s13, $0xb8;
	[tilespmem:$0x1E800] =	vst v63  }
0x2e: {  	_ =	swait.ge [sflag:s15], $0x2800  }
0x2f: {  	[sflag:s15] =	ssyncset.done $0x0  }
0x30: {  	s18 =	sadd.s32 $0x4000, s18;
	[sflag:s15] =	ssyncadd.s32 $0xFFFFD800  }
0x31: {  	[spmem:s1] =	stream.indirect.scatter.add.f32 [tilespmem:s14], [sflag:$0x2], $0x80, s18, s13, $0xb8;
	[tilespmem:$0x1E800] =	vst v63  }
0x32: {  	_ =	swait.ge [sflag:s9], $0x2800  }
0x33: {  	s17 =	sadd.s32 $0x1, s17;
	[sflag:s9] =	ssyncset.done $0x0  }
0x34: {  	p0 =	sne.s32 s17, s8;
	[sflag:s9] =	ssyncadd.s32 $0xFFFFD800  }
.Ltmp1:
0x35: {  	[bflag:$0x0] =	sbarrier.arrive $0xFFFF;
	(pc) =	sbr.rel @p0 .LBB2_1-.Ltmp1, $4  }
0x36: {  	[hbm:s16], [sflag:s11] =	dma.local [spmem:s12], $0x2800  }
0x37: {  	_ =	swait.ge [sflag:s9], $0x2800  }
0x38: {  	[sflag:s9] =	ssyncset.done $0x0  }
0x39: {  	[sflag:s9] =	ssyncadd.s32 $0xFFFFD800  }
0x3a: {  	_ =	sfence.sel $0x180000  }
0x3b: {  	[bflag:$0x0] =	sbarrier.arrive $0xFFFF  }
0x3c: {  	p0 =	sne.s32 s2, $0x0;
	_ =	strace $0x9000004D  }
0x3d: {  	s0 =	sadd.s32 @!p0 $0x100000, s0;
	[bflag:$0x2] =	sbarrier.arrive $0xFFFF  }
0x3e: {  	[sflag:s0] =	ssyncadd.tile.s32 @!p0 $0x1;
	_ =	shalt  }
.Lfunc_end2:
_tile_overlayer_lowered:
.L_overlay_start_2:
0x3f: {  	(tag) =	ssettag $0x2  }
0x40: {  	s0 =	rddreg [dreg:$0x0];
	s2 =	stileid.u32  }
0x41: {  	s1 =	rddreg [dreg:$0x1];
	p0 =	sne.s32 s2, $0x0  }
0x42: {  	s3 =	rddreg [dreg:$0x2];
	[bflag:$0x3] =	sbarrier.arrive $0xFFFF;
	s2 =	simm.s32 @!p0 $0x1C02  }
0x43: {  	[timem:s3], [sflag:s2] =	dma.local @!p0 [hbm:s0], s1  }
0x44: {  	s0 =	simm.s32 @!p0 $0x2  }
0x45: {  	_ =	swait.ge @!p0 [sflag:s0], s1  }
0x46: {  	s1 =	ssub.s32 @!p0 $0x0, s1;
	[sflag:s0] =	ssyncset.done @!p0 $0x0  }
0x47: {  	[sflag:s0] =	ssyncadd.s32 @!p0 s1  }
0x48: {  	[bflag:$0x3] =	sbarrier.arrive $0xFFFF  }
0x49: {  	_ =	shalt  }

// kernel: _forward.9.cloned.1.call-start
scs
__scs_entry_jumppad:
0x0: {  	(pc) =	sbr.rel $0x88, $3  }
0x1: {  	(tag) =	ssettag $0x0;
	lr =	simm.s32 $0x1  }
0x2: {  	[smem:$0x3F84] =	sst lr;
	_ =	strace $0xD0000000  }
0x3: {  	_ = 	snop  }
0x4: {  	_ = 	snop  }
0x5: {  	_ = 	snop  }
0x6: {  	_ = 	snop  }
0x7: {  	_ = 	snop  }
__scs_overlays_trampoline_lowered:
0x8: {  	[smem:$0x3F93] =	sst s0  }
0x9: {  	[smem:$0x3F94] =	sst s1  }
0xa: {  	[smem:$0x3F95] =	sst s2  }
0xb: {  	[smem:$0x3F96] =	sst s3  }
0xc: {  	[smem:$0x3F97] =	sst s4  }
0xd: {  	[smem:$0x3F98] =	sst s5  }
0xe: {  	[smem:$0x3F99] =	sst s6  }
0xf: {  	[smem:$0x3F9A] =	sst s7  }
0x10: {  	[smem:$0x3F9B] =	sst s8  }
0x11: {  	[smem:$0x3F9C] =	sst s9;
	s0 =	simm.s32 @!p0 $0x0  }
0x12: {  	s1 =	sld [smem:$0x3F82];
	s0 =	simm.s32 @p0 $0x1  }
0x13: {  	[smem:$0x3F9D] =	sst s0;
	s0 =	simm.s32 @!p1 $0x0  }
0x14: {  	s2 =	sld [smem:$0x3F81];
	s0 =	simm.s32 @p1 $0x1  }
0x15: {  	[smem:$0x3F9E] =	sst s0;
	s0 =	simm.s32 @!p2 $0x0  }
0x16: {  	s3 =	sld [smem:$0x3FDB];
	s0 =	simm.s32 @p2 $0x1  }
0x17: {  	s4 =	simm.s32 $0x1BF5;
	[smem:$0x3FA0] =	sst s0  }
0x18: {  	s0 =	sld [smem:$0x3F83];
	_ =	swait.ge [sflag:s4], $0x0  }
0x19: {  	s7 =	sld [smem:$0x3F84]  }
0x1a: {  	s8 =	sadd.s32 $0xFFFFE003, lr  }
0x1b: {  	s9 =	sadd.s32 $0xFFFFFEF7, lr;
	s5 =	simm.s32 $0xFFFFFFFF;
	p2 =	slt.u32 s8, $0xFFFFF086  }
0x1c: {  	p1 =	slt.u32 s9, $0xF7A;
	s5 =	simm.s32 @!p2 $0x0  }
0x1d: {  	s5 =	simm.s32 @p1 $0x1;
	p0 =	seq.s32 s7, s2  }
0x1e: {  	s7 =	smul.u32 @!p0 $0xF7A, s2;
	p2 =	seq.s32 @!p0 s5, $0x0  }
0x1f: {  	s9 =	smul.u32 $0xF7A, s1;
	s8 =	simm.s32 @!p0 $0x1BF5;
	p2 =	por !p2, p0  }
0x20: {  	[sflag:s8] =	ssyncset.s32 @!p0 $0xFFFFF086;
	s6 =	sadd.s32 @!p0 s3, s7;
	s7 =	simm.s32 @!p0 $0x108  }
0x21: {  	s3 =	sadd.s32 s3, s9;
	s6 =	sadd.s32 @!p0 $0x88, s6;
	s7 =	simm.s32 @p2 $0x1082  }
0x22: {  	[simem:s7], [sflag:s8] =	dma.local @!p0 [hbm:s6], $0xF7A  }
0x23: {  	s9 =	sor.u32 $0xD0000000, s2;
	s6 =	simm.s32 $0x108;
	_ =	swait.ge @!p0 [sflag:s8], $0x0  }
0x24: {  	s3 =	sadd.s32 $0x88, s3;
	s6 =	simm.s32 @!p1 $0x1082;
	[sflag:s4] =	ssyncset.s32 $0xFFFFF086  }
0x25: {  	[simem:s6], [sflag:s4] =	dma.local [hbm:s3], $0xF7A  }
0x26: {  	[smem:$0x3F84] =	sst s1;
	(tag) =	ssettag s2;
	_ =	strace s9  }
0x27: {  	s1 =	sld [smem:$0x3F94]  }
0x28: {  	s2 =	sld [smem:$0x3F95]  }
0x29: {  	s4 =	sld [smem:$0x3F97]  }
0x2a: {  	p0 =	seq.s32 s5, $0x0;
	s5 =	sld [smem:$0x3F98]  }
0x2b: {  	s6 =	sld [smem:$0x3F99]  }
0x2c: {  	s7 =	sld [smem:$0x3F9A]  }
0x2d: {  	s3 =	simm.s32 $0x108;
	s8 =	sld [smem:$0x3F9B]  }
0x2e: {  	s3 =	simm.s32 @!p0 $0x1082;
	s9 =	sld [smem:$0x3F9C]  }
0x2f: {  	lr =	sadd.s32 s0, s3;
	s0 =	sld [smem:$0x3F93]  }
0x30: {  	s3 =	sld [smem:$0x3F96]  }
0x31: {  	[smem:$0x3F9F] =	sst s10  }
0x32: {  	s10 =	sld [smem:$0x3F9D];
	_ =	sdelay $0x3  }
0x33: {  	p0 =	seq.s32 s10, $0x1;
	s10 =	sld [smem:$0x3F9F];
	_ =	sdelay $0x3  }
0x34: {  	[smem:$0x3F9F] =	sst s10  }
0x35: {  	s10 =	sld [smem:$0x3F9E];
	_ =	sdelay $0x3  }
0x36: {  	p1 =	seq.s32 s10, $0x1;
	s10 =	sld [smem:$0x3F9F];
	_ =	sdelay $0x3  }
0x37: {  	[smem:$0x3F9F] =	sst s10  }
0x38: {  	s10 =	sld [smem:$0x3FA0]  }
0x39: {  	_ = 	snop;
	(pc) =	sbr.ind lr, $3  }
0x3a: {  	_ = 	snop  }
0x3b: {  	_ = 	snop  }
0x3c: {  	p2 =	seq.s32 s10, $0x1;
	s10 =	sld [smem:$0x3F9F]  }
0x3d: {  	_ =	shalt  }
0x3e: {  	_ =	shalt  }
0x3f: {  	_ =	shalt  }
0x40: {  	_ =	shalt  }
0x41: {  	_ =	shalt  }
0x42: {  	_ =	shalt  }
0x43: {  	_ =	shalt  }
0x44: {  	_ =	shalt  }
0x45: {  	_ =	shalt  }
0x46: {  	_ =	shalt  }
0x47: {  	_ =	shalt  }
0x48: {  	_ =	shalt  }
0x49: {  	_ =	shalt  }
0x4a: {  	_ =	shalt  }
0x4b: {  	_ =	shalt  }
0x4c: {  	_ =	shalt  }
0x4d: {  	_ =	shalt  }
0x4e: {  	_ =	shalt  }
0x4f: {  	_ =	shalt  }
0x50: {  	_ =	shalt  }
0x51: {  	_ =	shalt  }
0x52: {  	_ =	shalt  }
0x53: {  	_ =	shalt  }
0x54: {  	_ =	shalt  }
0x55: {  	_ =	shalt  }
0x56: {  	_ =	shalt  }
0x57: {  	_ =	shalt  }
0x58: {  	_ =	shalt  }
0x59: {  	_ =	shalt  }
0x5a: {  	_ =	shalt  }
0x5b: {  	_ =	shalt  }
0x5c: {  	_ =	shalt  }
0x5d: {  	_ =	shalt  }
0x5e: {  	_ =	shalt  }
0x5f: {  	_ =	shalt  }
0x60: {  	_ =	shalt  }
0x61: {  	_ =	shalt  }
0x62: {  	_ =	shalt  }
0x63: {  	_ =	shalt  }
0x64: {  	_ =	shalt  }
0x65: {  	_ =	shalt  }
0x66: {  	_ =	shalt  }
0x67: {  	_ =	shalt  }
0x68: {  	_ =	shalt  }
0x69: {  	_ =	shalt  }
0x6a: {  	_ =	shalt  }
0x6b: {  	_ =	shalt  }
0x6c: {  	_ =	shalt  }
0x6d: {  	_ =	shalt  }
0x6e: {  	_ =	shalt  }
0x6f: {  	_ =	shalt  }
0x70: {  	_ =	shalt  }
0x71: {  	_ =	shalt  }
0x72: {  	_ =	shalt  }
0x73: {  	_ =	shalt  }
0x74: {  	_ =	shalt  }
0x75: {  	_ =	shalt  }
0x76: {  	_ =	shalt  }
0x77: {  	_ =	shalt  }
0x78: {  	_ =	shalt  }
0x79: {  	_ =	shalt  }
0x7a: {  	_ =	shalt  }
0x7b: {  	_ =	shalt  }
0x7c: {  	_ =	shalt  }
0x7d: {  	_ =	shalt  }
0x7e: {  	_ =	shalt  }
0x7f: {  	_ =	shalt  }
0x80: {  	_ =	shalt  }
0x81: {  	_ =	shalt  }
0x82: {  	_ =	shalt  }
0x83: {  	_ =	shalt  }
0x84: {  	_ =	shalt  }
0x85: {  	_ =	shalt  }
0x86: {  	_ =	shalt  }
0x87: {  	_ =	shalt  }
.Lfunc_end0:
.L_simem_size_0:
called_computation_lowered:
.L_overlay_start_0:
0x88: {  	s2 =	sld [smem:$0x3FD9]  }
0x89: {  	s3 =	sld [smem:$0x3FFE];
	_ =	sdelay $0x1  }
0x8a: {  	s1 =	srdreg.scid  }
0x8b: {  	s0 =	sand.u32 $0x1, s1  }
0x8c: {  	s17 =	sshll.u32 s0, $0xA;
	s2 =	sadd.s32 s3, s2  }
0x8d: {  	s2 =	sadd.s32 s2, s17  }
0x8e: {  	[smem:$0x3FAB] =	sst s2  }
0x8f: {  	_ = 	snop  }
0x90: {  	s2 =	sld [smem:$0x3FC9];
	(tm) =	ssettm $0x1  }
0x91: {  	s18 =	sld [smem:$0x3FFB];
	_ =	sdelay $0x3  }
0x92: {  	_ =	strace s18  }
0x93: {  	s3 =	sld [smem:$0x3FFC];
	_ =	sdelay $0x3  }
0x94: {  	_ =	strace s3  }
0x95: {  	s3 =	sld [smem:$0x3FFD];
	_ =	sdelay $0x3  }
0x96: {  	_ =	strace s3  }
0x97: {  	_ =	strace $0x8FFFFFFF  }
0x98: {  	s19 =	sld [smem:$0x3FDB];
	_ =	sdelay $0x1  }
0x99: {  	s4 =	simm.s32 $_scs_section_size  }
0x9a: {  	s5 =	simm.s32 $_size__tile_overlayer_lowered;
	s6 =	simm.s32 $_tile_overlayer_lowered  }
0x9b: {  	s22 =	simm.s32 $0x1BFF;
	s21 =	sshll.u32 s6, $0x1;
	s3 =	sadd.s32 s4, s19  }
0x9c: {  	s7 =	simm.s32 $0x0;
	s20 =	sshll.u32 s5, $0x1;
	s5 =	sadd.s32 s21, s3  }
0x9d: {  	[timem:s7], [sflag:s22] =	dma.local [hbm:s5], s20  }
0x9e: {  	_ =	swait.ge [sflag:s22], s20  }
0x9f: {  	s4 =	ssub.s32 $0x0, s20;
	[sflag:s22] =	ssyncset.done $0x0  }
0xa0: {  	[sflag:s22] =	ssyncadd.s32 s4;
	_ =	sdelay $0x1  }
0xa1: {  	s23 =	simm.s32 $0x1B8B  }
0xa2: {  	_ =	swait.ge [sflag:s23], $0x1  }
0xa3: {  	[sflag:s23] =	ssyncset.done $0x0  }
0xa4: {  	s25 =	simm.s32 $0x1B8E;
	s24 =	sld [smem:$0x3FFE];
	[sflag:s23] =	ssyncadd.s32 $0xFFFFFFFF  }
0xa5: {  	s26 =	simm.s32 $execute0_lowered;
	[smem:$0x3FD2] =	sst s25  }
0xa6: {  	s5 =	sshll.u32 s26, $0x1;
	_ =	strace $0x80000046;
	[dreg:$0x1] =	wrdreg $0xFFFFFFFF  }
0xa7: {  	s28 =	simm.s32 $_size_execute0_lowered;
	s3 =	sadd.s32 s3, s5;
	[dreg:$0x0] =	wrdreg $0x0  }
0xa8: {  	s5 =	sshll.u32 s28, $0x1;
	[dreg:$0x2] =	wrdreg s3  }
0xa9: {  	[dreg:$0x3] =	wrdreg s5  }
0xaa: {  	[dreg:$0x4] =	wrdreg $0xC0  }
0xab: {  	_ =	task [dreg:s7], $0x5FFFF  }
0xac: {  	[dreg:$0x1] =	wrdreg $0xFFFFFFFF  }
0xad: {  	[dreg:$0x0] =	wrdreg $0x60  }
0xae: {  	[dreg:$0x2] =	wrdreg s2  }
0xaf: {  	[dreg:$0x3] =	wrdreg s24  }
0xb0: {  	[dreg:$0x4] =	wrdreg $0xA8000  }
0xb1: {  	[dreg:$0x5] =	wrdreg $0x9  }
0xb2: {  	_ =	task.clear_ibuf [dreg:s7], $0x6FFFF;
	_ =	strace $0x90000046  }
0xb3: {  	s29 =	simm.s32 $0x9;
	_ =	strace $0x80000048  }
0xb4: {  	_ =	swait.ge [sflag:s29], $0x1  }
0xb5: {  	[sflag:s29] =	ssyncadd.s32 $0xFFFFFFFF  }
0xb6: {  	_ =	strace $0x90000048  }
0xb7: {  	_ =	sfence  }
0xb8: {  	s30 =	sld [smem:$0x0];
	_ =	sdelay $0x2  }
0xb9: {  	s31 =	sshll.u32 s1, $0xD;
	s1 =	sshrl.u32 s1, $0x2  }
0xba: {  	s3 =	sand.u32 $0x4000, s31;
	s1 =	sadd.s32 s1, s30  }
0xbb: {  	s0 =	sor.u32 s3, s0;
	s1 =	sshll.u32 s1, $0x11  }
0xbc: {  	s0 =	sor.u32 s1, s0  }
0xbd: {  	s0 =	sadd.s32 $0x8F2B, s0  }
0xbe: {  	[sflag:s0] =	ssyncadd.remote.s32 $0x1  }
0xbf: {  	_ =	sfence.sel $0xFFFF  }
0xc0: {  	[dreg:$0x0] =	wrdreg $0xFFFFFFFF;
	(pc) =	sbr.abs _section_cstart, $3  }
0xc1: {  	[dreg:$0x1] =	wrdreg $0xFFFFFFFF  }
0xc2: {  	_ =	task.clear_ibuf [dreg:s7], $0x2FFFF;
	_ =	strace $0x9FFFFFFF  }
0xc3: {  	(tm) =	ssettm $0x7FFFFFFF  }
tec
execute0_lowered:
.L_overlay_start_1:
0x0: {  	(tag) =	ssettag $0x1  }
0x1: {  	s1 =	rddreg [dreg:$0x0]  }
0x2: {  	s6 =	rddreg [dreg:$0x1]  }
0x3: {  	s3 =	rddreg [dreg:$0x2]  }
0x4: {  	s0 =	rddreg [dreg:$0x3];
	s5 =	srdreg.scid  }
0x5: {  	s4 =	simm.s32 $0x0;
	s2 =	stileid.u32;
	s13 =	simm.s32 $0x50  }
0x6: {  	s14 =	simm.s32 $0x8000;
	s15 =	simm.s32 $0x1;
	s5 =	sand.u32 $0x1, s5  }
0x7: {  	[smem:$0x7FF] =	sst s4;
	s8 =	sshll.u32 s2, $0xB;
	s10 =	smul.u32 $0x50000, s2  }
0x8: {  	s17 =	smul.u32 $0x2800, s2;
	s11 =	sshll.u32 s2, $0x6;
	s7 =	sshll.u32 s5, $0xF  }
0x9: {  	_ =	strace $0x80000047;
	s30 =	smul.u32 $0x28000, s5;
	s9 =	ssub.s32 $0x2, s5  }
0xa: {  	s5 =	sadd.s32 $0x26200, s6;
	s11 =	sor.u32 $0x1C02, s11;
	s7 =	sor.u32 s8, s7  }
0xb: {  	s31 =	sshrl.u32 s9, $0x1;
	s10 =	sshrl.u32 s10, $0x2;
	s7 =	sadd.s32 s7, s6  }
0xc: {  	s8 =	sadd.s32 s30, s6;
	s9 =	ssub.s32 s9, s31;
	s12 =	sadd.s32 s10, s3  }
0xd: {  	s10 =	simm.s32 $0x4000;
	s6 =	sadd.s32 $0x6200, s7;
	s7 =	sadd.s32 $0x16200, s7  }
0xe: {  	s16 =	sadd.s32 $0x28A00, s8;
	s8 =	smax.u32 s9, $0x1;
	s9 =	simm.s32 $0x2  }
0xf: {  	s12 =	sshrl.u32 s12, $0x3;
	s16 =	sadd.s32 s17, s16;
	s17 =	simm.s32 $0x0  }
.LBB2_1:
0x10: {  	[tilespmem:s4], [sflag:$0x2] =	stream.linear.gather [hbm4b:s6+s4], $0x3E80, $0x38;
	[tilespmem:$0x1E800] =	vst v63  }
0x11: {  	_ =	swait.ge [sflag:s9], $0x3E80  }
0x12: {  	[sflag:s9] =	ssyncset.done $0x0  }
0x13: {  	[sflag:s9] =	ssyncadd.s32 $0xFFFFC180  }
0x14: {  	[tilespmem:s10], [sflag:$0x2] =	stream.linear.gather [hbm4b:s7+s4], $0x3E80, $0x38;
	[tilespmem:$0x1E800] =	vst v63  }
0x15: {  	_ =	swait.ge [sflag:s9], $0x3E80  }
0x16: {  	[sflag:s9] =	ssyncset.done $0x0  }
0x17: {  	[sflag:s9] =	ssyncadd.s32 $0xFFFFC180  }
0x18: {  	[spmem:s12], [sflag:s11] =	dma.local [hbm:s5], $0x2800  }
0x19: {  	_ =	swait.ge [sflag:s9], $0x2800  }
0x1a: {  	[sflag:s9] =	ssyncset.done $0x0  }
0x1b: {  	[sflag:s9] =	ssyncadd.s32 $0xFFFFD800  }
0x1c: {  	s18 =	simm.s32 $0x0;
	[bflag:$0x0] =	sbarrier.arrive $0xFFFF  }
0x1d: {  	[tilespmem:s14], [sflag:$0x1] =	stream.indirect.gather [hbm4b:s1+s13], $0x80, s18, s13, $0xb8;
	[tilespmem:$0x1E800] =	vst v63  }
0x1e: {  	_ =	swait.ge [sflag:s15], $0x2800  }
0x1f: {  	[sflag:s15] =	ssyncset.done $0x0  }
0x20: {  	s31 =	simm.s32 $0x4000;
	[sflag:s15] =	ssyncadd.s32 $0xFFFFD800  }
0x21: {  	[spmem:s3] =	stream.indirect.scatter.add.f32 [tilespmem:s14], [sflag:$0x2], $0x80, s31, s13, $0xb8;
	[tilespmem:$0x1E800] =	vst v63  }
0x22: {  	_ =	swait.ge [sflag:s9], $0x2800  }
0x23: {  	s19 =	simm.s32 $0x400;
	s18 =	simm.s32 $0x200;
	[sflag:s9] =	ssyncset.done $0x0  }
.LBB2_2:
0x24: {  	s20 =	sshra.s32 s18, $0x2  }
0x25: {  	[sflag:s9] =	ssyncadd.s32 $0xFFFFD800;
	s18 =	smov.u32 s19;
	s21 =	sadd.s32 $0x200, s19  }
0x26: {  	[tilespmem:s14], [sflag:$0x1] =	stream.indirect.gather [hbm4b:s1+s13], $0x80, s20, s13, $0xb8;
	[tilespmem:$0x1E800] =	vst v63  }
0x27: {  	p0 =	sne.s32 s19, $0xF800;
	_ =	swait.ge [sflag:s15], $0x2800  }
.Ltmp0:
0x28: {  	[sflag:s15] =	ssyncset.done $0x0;
	(pc) =	sbr.rel @p0 .LBB2_2-.Ltmp0, $4  }
0x29: {  	s19 =	sadd.s32 $0x4000, s20;
	[sflag:s15] =	ssyncadd.s32 $0xFFFFD800  }
0x2a: {  	[spmem:s3] =	stream.indirect.scatter.add.f32 [tilespmem:s14], [sflag:$0x2], $0x80, s19, s13, $0xb8;
	[tilespmem:$0x1E800] =	vst v63  }
0x2b: {  	_ =	swait.ge [sflag:s9], $0x2800  }
0x2c: {  	s19 =	smov.u32 s21;
	[sflag:s9] =	ssyncset.done $0x0  }
0x2d: {  	s18 =	sshra.s32 s18, $0x2;
	[sflag:s9] =	ssyncadd.s32 $0xFFFFD800  }
0x2e: {  	[tilespmem:s14], [sflag:$0x1] =	stream.indirect.gather [hbm4b:s1+s13], $0x80, s18, s13, $0xb8;
	[tilespmem:$0x1E800] =	vst v63  }
0x2f: {  	_ =	swait.ge [sflag:s15], $0x2800  }
0x30: {  	[sflag:s15] =	ssyncset.done $0x0  }
0x31: {  	s18 =	sadd.s32 $0x4000, s18;
	[sflag:s15] =	ssyncadd.s32 $0xFFFFD800  }
0x32: {  	[spmem:s3] =	stream.indirect.scatter.add.f32 [tilespmem:s14], [sflag:$0x2], $0x80, s18, s13, $0xb8;
	[tilespmem:$0x1E800] =	vst v63  }
0x33: {  	_ =	swait.ge [sflag:s9], $0x2800  }
0x34: {  	s17 =	sadd.s32 $0x1, s17;
	[sflag:s9] =	ssyncset.done $0x0  }
0x35: {  	p0 =	sne.s32 s17, s8;
	[sflag:s9] =	ssyncadd.s32 $0xFFFFD800  }
.Ltmp1:
0x36: {  	[bflag:$0x0] =	sbarrier.arrive $0xFFFF;
	(pc) =	sbr.rel @p0 .LBB2_1-.Ltmp1, $4  }
0x37: {  	[hbm:s16], [sflag:s11] =	dma.local [spmem:s12], $0x2800  }
0x38: {  	_ =	swait.ge [sflag:s9], $0x2800  }
0x39: {  	[sflag:s9] =	ssyncset.done $0x0  }
0x3a: {  	[sflag:s9] =	ssyncadd.s32 $0xFFFFD800  }
0x3b: {  	_ =	sfence.sel $0x180000  }
0x3c: {  	[bflag:$0x0] =	sbarrier.arrive $0xFFFF  }
0x3d: {  	p0 =	sne.s32 s2, $0x0;
	_ =	strace $0x90000047  }
0x3e: {  	s0 =	sadd.s32 @!p0 $0x100000, s0;
	[bflag:$0x2] =	sbarrier.arrive $0xFFFF  }
0x3f: {  	[sflag:s0] =	ssyncadd.tile.s32 @!p0 $0x1;
	_ =	shalt  }
.Lfunc_end2:
_tile_overlayer_lowered:
.L_overlay_start_2:
0x40: {  	(tag) =	ssettag $0x2  }
0x41: {  	s0 =	rddreg [dreg:$0x0];
	s2 =	stileid.u32  }
0x42: {  	s1 =	rddreg [dreg:$0x1];
	p0 =	sne.s32 s2, $0x0  }
0x43: {  	s3 =	rddreg [dreg:$0x2];
	[bflag:$0x3] =	sbarrier.arrive $0xFFFF;
	s2 =	simm.s32 @!p0 $0x1C02  }
0x44: {  	[timem:s3], [sflag:s2] =	dma.local @!p0 [hbm:s0], s1  }
0x45: {  	s0 =	simm.s32 @!p0 $0x2  }
0x46: {  	_ =	swait.ge @!p0 [sflag:s0], s1  }
0x47: {  	s1 =	ssub.s32 @!p0 $0x0, s1;
	[sflag:s0] =	ssyncset.done @!p0 $0x0  }
0x48: {  	[sflag:s0] =	ssyncadd.s32 @!p0 s1  }
0x49: {  	[bflag:$0x3] =	sbarrier.arrive $0xFFFF  }
0x4a: {  	_ =	shalt  }

</sc_bundles>
